<compile_context>
chip_gen: v7x
topology: tpu7x:2x2x1
jax: 0.10.2.dev20260603
libtpu: 0.0.44.dev20260713+nightly
codegen_flags: <defaults>
</compile_context>

<pallas_src>
import functools

import jax
import jax.numpy as jnp
from jax import lax
from jax.experimental import pallas as pl
from jax.experimental.pallas import tpu as pltpu
from jax.experimental.pallas import tpu_sc as plsc

N = 100000
D = 128
NUM_SEGMENTS = 512
NUM_PIECES = 5

NC = 2
NS = 16
NW = NC * NS
L = 16
TILE = 128
NTILES = N // TILE
TAIL = N - NTILES * TILE
ROWS = NUM_SEGMENTS // NS
BASE = NTILES // NW
EXTRA = NTILES - BASE * NW
Q = 32
IDROWS = 784

_mesh = plsc.VectorSubcoreMesh(
    core_axis_name="c", subcore_axis_name="s", num_cores=NC, num_subcores=NS
)


@functools.partial(
    pl.kernel,
    out_type=(
        jax.ShapeDtypeStruct((NC, NUM_SEGMENTS, D), jnp.float32),
        jax.ShapeDtypeStruct((NW, NUM_SEGMENTS), jnp.float32),
    ),
    mesh=_mesh,
    scratch_types=(
        pltpu.VMEM((TILE, D), jnp.float32),
        pltpu.VMEM((TILE, D), jnp.float32),
        pltpu.VMEM((TILE, D), jnp.float32),
        pltpu.VMEM((TILE, D), jnp.float32),
        pltpu.VMEM((Q, TILE), jnp.int32),
        pltpu.VMEM((TAIL,), jnp.int32),
        pltpu.VMEM((NUM_SEGMENTS,), jnp.float32),
        pltpu.VMEM_SHARED((NUM_SEGMENTS, D), jnp.float32),
        pltpu.SemaphoreType.DMA,
        pltpu.SemaphoreType.DMA,
        pltpu.SemaphoreType.DMA,
        pltpu.SemaphoreType.DMA,
        pltpu.SemaphoreType.DMA,
        pltpu.SemaphoreType.DMA,
        pltpu.SemaphoreType.DMA,
        pltpu.SemaphoreType.DMA,
    ),
    compiler_params=pltpu.CompilerParams(needs_layout_passes=False),
)
def _segment_sums(feats, ids, ids2, out_sums, out_counts,
                  buf0, buf1, buf2, buf3, idsw, tail_ids, hist, acc_sh,
                  ls0, ls1, ls2, ls3, ss0, ss1, ss2, ss3):
    bufs = (buf0, buf1, buf2, buf3)
    lsems = (ls0, ls1, ls2, ls3)
    ssems = (ss0, ss1, ss2, ss3)
    cid = lax.axis_index("c")
    sid = lax.axis_index("s")
    wid = cid * NS + sid

    z16 = jnp.zeros((L,), jnp.float32)

    def zrow(r, carry):
        for k in range(D // L):
            buf0[r, pl.ds(k * L, L)] = z16
        return carry

    lax.fori_loop(0, ROWS, zrow, 0)
    pltpu.sync_copy(buf0.at[pl.ds(0, ROWS), :], acc_sh.at[pl.ds(sid * ROWS, ROWS), :])
    for k in range(NUM_SEGMENTS // L):
        hist[pl.ds(k * L, L)] = z16
    plsc.subcore_barrier()

    ones = jnp.full((L,), 1.0, jnp.float32)

    start = wid * BASE + jnp.minimum(wid, EXTRA)
    nt = BASE + jnp.where(wid < EXTRA, 1, 0)

    abase = (start // 8) * 8
    off = start - abase
    pltpu.sync_copy(ids2.at[pl.ds(abase, Q), :], idsw)

    def load(i, j):
        pltpu.async_copy(feats.at[pl.ds((start + i) * TILE, TILE), :],
                         bufs[j], lsems[j])

    def wait_load(i, j):
        pltpu.make_async_copy(feats.at[pl.ds((start + i) * TILE, TILE), :],
                              bufs[j], lsems[j]).wait()

    def scatter(i, j):
        pltpu.async_copy(bufs[j], acc_sh.at[idsw.at[off + i]], ssems[j],
                         add=True)

    def wait_scatter(i, j):
        pltpu.make_async_copy(bufs[j], acc_sh.at[idsw.at[off + i]],
                              ssems[j]).wait()

    def count(i):
        for k in range(TILE // L):
            plsc.addupdate_scatter(hist, [idsw[off + i, pl.ds(k * L, L)]], ones)

    def step(i, j):
        wait_load(i, j)
        scatter(i, j)
        count(i)
        nj = (j + 2) % 4

        @pl.when(i >= 2)
        def _():
            wait_scatter(i - 2, nj)

        @pl.when(i + 2 < nt)
        def _():
            load(i + 2, nj)

    load(0, 0)
    load(1, 1)

    def quad(q, carry):
        for j in range(4):
            step(4 * q + j, j)
        return carry

    lax.fori_loop(0, BASE // 4, quad, 0)

    @pl.when(nt > BASE)
    def _last():
        step(BASE, BASE % 4)

    @pl.when(nt == BASE)
    def _drain_even():
        wait_scatter(BASE - 2, (BASE - 2) % 4)
        wait_scatter(BASE - 1, (BASE - 1) % 4)

    @pl.when(nt > BASE)
    def _drain_odd():
        wait_scatter(BASE - 1, (BASE - 1) % 4)
        wait_scatter(BASE, BASE % 4)

    @pl.when(wid == NW - 1)
    def _tail():
        r0 = NTILES * TILE
        pltpu.sync_copy(feats.at[pl.ds(r0, TAIL), :], buf0.at[pl.ds(0, TAIL), :])
        pltpu.sync_copy(ids.at[pl.ds(r0, TAIL)], tail_ids)
        pltpu.sync_copy(buf0.at[pl.ds(0, TAIL), :], acc_sh.at[tail_ids], add=True)
        for k in range(TAIL // L):
            plsc.addupdate_scatter(hist, [tail_ids[pl.ds(k * L, L)]], ones)

    plsc.subcore_barrier()

    pltpu.sync_copy(acc_sh.at[pl.ds(sid * ROWS, ROWS), :], buf0.at[pl.ds(0, ROWS), :])
    pltpu.sync_copy(buf0.at[pl.ds(0, ROWS), :],
                    out_sums.at[cid, pl.ds(sid * ROWS, ROWS), :])
    pltpu.sync_copy(hist, out_counts.at[wid])


def _finish_body(s01, cnt, we, be, wo, bo, out):
    sums = s01[0] + s01[1]
    counts = lax.dot_general(cnt[...], jnp.ones((NW, 1), jnp.float32),
                             (((0,), (0,)), ((), ())),
                             precision=lax.Precision.HIGHEST,
                             preferred_element_type=jnp.float32)
    mean = sums * (1.0 / jnp.maximum(counts, 1.0))
    g = lax.dot_general(mean, we[...], (((1,), (0,)), ((), ())),
                        precision=lax.Precision.HIGHEST,
                        preferred_element_type=jnp.float32)
    g = g + jnp.where(counts > 0.0, 1.0, 0.0) * be[...]
    out[...] = lax.dot_general(g, wo[...], (((1,), (0,)), ((), ())),
                               precision=lax.Precision.HIGHEST,
                               preferred_element_type=jnp.float32) + bo[...]


_finish = pl.pallas_call(
    _finish_body,
    out_shape=jax.ShapeDtypeStruct((NUM_SEGMENTS, NUM_PIECES), jnp.float32),
)


def kernel(node_feats, segment_ids, W_embed, b_embed, W_out, b_out):
    ids2 = jnp.pad(segment_ids, (0, IDROWS * TILE - N)).reshape(IDROWS, TILE)
    sums, counts = _segment_sums(node_feats, segment_ids, ids2)
    return _finish(
        sums, counts,
        W_embed, b_embed.reshape(1, D),
        W_out, b_out.reshape(1, NUM_PIECES),
    )

# --- scband reference (transcript-rebuilt; emitter-appended) ---
"""Pipeline reference for scband-platonic-solids-classifier-26860725469307 (READ-ONLY COPY).

The authoritative reference and input builder live on the scoring server;
editing this copy changes nothing except your own understanding.
"""

import jax, jax.numpy as jnp
import numpy as np

N = 100000
D = 128
NUM_SEGMENTS = 512
NUM_PIECES = 5


def setup_inputs(seed: int = 0) -> dict:
    key = jax.random.key(seed)
    k1, k2, k3, k4, k5, k6 = jax.random.split(key, 6)
    node_feats = jax.random.normal(k1, (N, D), dtype=jnp.float32)
    segment_ids = jnp.sort(jax.random.randint(k2, (N,), 0, NUM_SEGMENTS, dtype=jnp.int32))
    # node_embedder modeled as a learned Linear (hk.Linear-style params)
    W_embed = jax.random.normal(k3, (D, D), dtype=jnp.float32) / np.sqrt(D)
    b_embed = jnp.zeros((D,), dtype=jnp.float32)
    # final hk.Linear(num_pieces)
    W_out = jax.random.normal(k4, (D, NUM_PIECES), dtype=jnp.float32) / np.sqrt(D)
    b_out = jnp.zeros((NUM_PIECES,), dtype=jnp.float32)
    return {
        "node_feats": node_feats,
        "segment_ids": segment_ids,
        "W_embed": W_embed,
        "b_embed": b_embed,
        "W_out": W_out,
        "b_out": b_out,
    }


def reference(node_feats, segment_ids, W_embed, b_embed, W_out, b_out):
    # node_embedder(graphs): per-node embedding
    h = node_feats @ W_embed + b_embed
    # e3nn.scatter_mean(node_feats, nel=graphs.n_node): per-graph mean over nodes
    sums = jax.ops.segment_sum(h, segment_ids, num_segments=NUM_SEGMENTS)
    counts = jax.ops.segment_sum(
        jnp.ones((h.shape[0], 1), dtype=h.dtype), segment_ids, num_segments=NUM_SEGMENTS
    )
    global_feats = sums / jnp.maximum(counts, 1.0)
    # .filter('0e').array: scalar channels kept (features treated as scalar irreps -> identity)
    # hk.Linear(num_pieces)
    logits = global_feats @ W_out + b_out
    return logits

if __name__ == "__main__":
    import jax
    _d = setup_inputs()
    print(jax.jit(kernel)(*tuple(_d.values())))

</pallas_src>

<mosaic_0001>
#map = affine_map<(d0, d1) -> (0, 0)>
#map1 = affine_map<(d0, d1) -> (0)>
#map2 = affine_map<(d0, d1) -> (0, 0, 0)>
module attributes {stable_mosaic.version = 14 : i64} {
  func.func @_segment_sums(%arg0: i32, %arg1: i32, %arg2: memref<100000x128xf32, #tpu.memory_space<hbm>>, %arg3: memref<100000xi32, #tpu.memory_space<hbm>>, %arg4: memref<784x128xi32, #tpu.memory_space<hbm>>, %arg5: memref<2x512x128xf32, #tpu.memory_space<hbm>>, %arg6: memref<32x512xf32, #tpu.memory_space<hbm>>, %arg7: memref<128x128xf32, #tpu.memory_space<vmem>>, %arg8: memref<128x128xf32, #tpu.memory_space<vmem>>, %arg9: memref<128x128xf32, #tpu.memory_space<vmem>>, %arg10: memref<128x128xf32, #tpu.memory_space<vmem>>, %arg11: memref<32x128xi32, #tpu.memory_space<vmem>>, %arg12: memref<32xi32, #tpu.memory_space<vmem>>, %arg13: memref<512xf32, #tpu.memory_space<vmem>>, %arg14: memref<512x128xf32, #tpu.memory_space<vmem_shared>>, %arg15: memref<!tpu.dma_semaphore, #tpu.memory_space<semaphore_mem>>, %arg16: memref<!tpu.dma_semaphore, #tpu.memory_space<semaphore_mem>>, %arg17: memref<!tpu.dma_semaphore, #tpu.memory_space<semaphore_mem>>, %arg18: memref<!tpu.dma_semaphore, #tpu.memory_space<semaphore_mem>>, %arg19: memref<!tpu.dma_semaphore, #tpu.memory_space<semaphore_mem>>, %arg20: memref<!tpu.dma_semaphore, #tpu.memory_space<semaphore_mem>>, %arg21: memref<!tpu.dma_semaphore, #tpu.memory_space<semaphore_mem>>, %arg22: memref<!tpu.dma_semaphore, #tpu.memory_space<semaphore_mem>>) attributes {dimension_semantics = [#tpu.dimension_semantics<core_parallel>, #tpu.dimension_semantics<subcore_parallel>], iteration_bounds = array<i64: 2, 16>, scalar_prefetch = 0 : i64, scratch_operands = 16 : i64, tpu.core_type = #tpu.core_type<sc_vector_subcore>, window_params = [{transform_indices = #map}, {transform_indices = #map1}, {transform_indices = #map}, {transform_indices = #map2}, {transform_indices = #map}]} {
    %mul3A = arith.constant 16 : i32
    %mul3A_0 = arith.muli %arg0, %mul3A : i32
    %add3A = arith.addi %mul3A_0, %arg1 : i32
    %broadcast_in_dim3A = arith.constant 0.000000e+00 : f32
    %broadcast_in_dim3A_1 = vector.broadcast %broadcast_in_dim3A : f32 to vector<16xf32>
    %scan3A = arith.constant 0 : i32
    %scan3A_2 = arith.constant 0 : i32
    %scan3A_3 = arith.constant 32 : i32
    %scan3A_4 = arith.addi %scan3A_2, %scan3A_3 : i32
    %scan3A_5 = arith.constant 1 : i32
    scf.for %scan3A_145 = %scan3A_2 to %scan3A_4 step %scan3A_5  : i32 {
      %swap3A_146 = arith.index_cast %scan3A_145 : i32 to index
      %swap3A_147 = arith.constant 0 : index
      %swap3A_148 = tpu.vector_load %arg7[%swap3A_146, %swap3A_147] {strides = array<i32>} : memref<128x128xf32, #tpu.memory_space<vmem>>, vector<16xf32>,
      tpu.vector_store %arg7[%swap3A_146, %swap3A_147], %broadcast_in_dim3A_1 {strides = array<i32>} : memref<128x128xf32, #tpu.memory_space<vmem>>, vector<16xf32>,
      %swap3A_149 = arith.index_cast %scan3A_145 : i32 to index
      %swap3A_150 = arith.constant 16 : index
      %swap3A_151 = tpu.vector_load %arg7[%swap3A_149, %swap3A_150] {strides = array<i32>} : memref<128x128xf32, #tpu.memory_space<vmem>>, vector<16xf32>,
      tpu.vector_store %arg7[%swap3A_149, %swap3A_150], %broadcast_in_dim3A_1 {strides = array<i32>} : memref<128x128xf32, #tpu.memory_space<vmem>>, vector<16xf32>,
      %swap3A_152 = arith.index_cast %scan3A_145 : i32 to index
      %swap3A_153 = arith.constant 32 : index
      %swap3A_154 = tpu.vector_load %arg7[%swap3A_152, %swap3A_153] {strides = array<i32>} : memref<128x128xf32, #tpu.memory_space<vmem>>, vector<16xf32>,
      tpu.vector_store %arg7[%swap3A_152, %swap3A_153], %broadcast_in_dim3A_1 {strides = array<i32>} : memref<128x128xf32, #tpu.memory_space<vmem>>, vector<16xf32>,
      %swap3A_155 = arith.index_cast %scan3A_145 : i32 to index
      %swap3A_156 = arith.constant 48 : index
      %swap3A_157 = tpu.vector_load %arg7[%swap3A_155, %swap3A_156] {strides = array<i32>} : memref<128x128xf32, #tpu.memory_space<vmem>>, vector<16xf32>,
      tpu.vector_store %arg7[%swap3A_155, %swap3A_156], %broadcast_in_dim3A_1 {strides = array<i32>} : memref<128x128xf32, #tpu.memory_space<vmem>>, vector<16xf32>,
      %swap3A_158 = arith.index_cast %scan3A_145 : i32 to index
      %swap3A_159 = arith.constant 64 : index
      %swap3A_160 = tpu.vector_load %arg7[%swap3A_158, %swap3A_159] {strides = array<i32>} : memref<128x128xf32, #tpu.memory_space<vmem>>, vector<16xf32>,
      tpu.vector_store %arg7[%swap3A_158, %swap3A_159], %broadcast_in_dim3A_1 {strides = array<i32>} : memref<128x128xf32, #tpu.memory_space<vmem>>, vector<16xf32>,
      %swap3A_161 = arith.index_cast %scan3A_145 : i32 to index
      %swap3A_162 = arith.constant 80 : index
      %swap3A_163 = tpu.vector_load %arg7[%swap3A_161, %swap3A_162] {strides = array<i32>} : memref<128x128xf32, #tpu.memory_space<vmem>>, vector<16xf32>,
      tpu.vector_store %arg7[%swap3A_161, %swap3A_162], %broadcast_in_dim3A_1 {strides = array<i32>} : memref<128x128xf32, #tpu.memory_space<vmem>>, vector<16xf32>,
      %swap3A_164 = arith.index_cast %scan3A_145 : i32 to index
      %swap3A_165 = arith.constant 96 : index
      %swap3A_166 = tpu.vector_load %arg7[%swap3A_164, %swap3A_165] {strides = array<i32>} : memref<128x128xf32, #tpu.memory_space<vmem>>, vector<16xf32>,
      tpu.vector_store %arg7[%swap3A_164, %swap3A_165], %broadcast_in_dim3A_1 {strides = array<i32>} : memref<128x128xf32, #tpu.memory_space<vmem>>, vector<16xf32>,
      %swap3A_167 = arith.index_cast %scan3A_145 : i32 to index
      %swap3A_168 = arith.constant 112 : index
      %swap3A_169 = tpu.vector_load %arg7[%swap3A_167, %swap3A_168] {strides = array<i32>} : memref<128x128xf32, #tpu.memory_space<vmem>>, vector<16xf32>,
      tpu.vector_store %arg7[%swap3A_167, %swap3A_168], %broadcast_in_dim3A_1 {strides = array<i32>} : memref<128x128xf32, #tpu.memory_space<vmem>>, vector<16xf32>,
    }
    %scan3A_6 = arith.constant 32 : i32
    %mul3A_7 = arith.constant 32 : i32
    %mul3A_8 = arith.muli %arg1, %mul3A_7 : i32
    "tpu.region"() ({
      %run_scoped3A = tpu.sem_alloc : memref<!tpu.dma_semaphore, #tpu.memory_space<semaphore_mem>>
      %dma_start3A_145 = arith.constant 0 : i32
      %dma_start3A_146 = arith.constant 0 : i32
      %dma_start3A_147 = tpu.memref_slice %arg7[%dma_start3A_145, %dma_start3A_146] : memref<128x128xf32, #tpu.memory_space<vmem>> -> memref<32x128xf32, #tpu.memory_space<vmem>>
      %dma_start3A_148 = arith.constant 0 : i32
      %dma_start3A_149 = tpu.memref_slice %arg14[%mul3A_8, %dma_start3A_148] : memref<512x128xf32, #tpu.memory_space<vmem_shared>> -> memref<32x128xf32, #tpu.memory_space<vmem_shared>>
      %dma_start3A_150 = arith.constant 0 : i32
      %dma_start3A_151 = tpu.memref_slice %arg14[%mul3A_8, %dma_start3A_150] : memref<512x128xf32, #tpu.memory_space<vmem_shared>> -> memref<32x128xf32, #tpu.memory_space<vmem_shared>>
      %dma_start3A_152 = arith.constant 0 : i32
      %dma_start3A_153 = arith.constant 0 : i32
      %dma_start3A_154 = tpu.memref_slice %arg7[%dma_start3A_152, %dma_start3A_153] : memref<128x128xf32, #tpu.memory_space<vmem>> -> memref<32x128xf32, #tpu.memory_space<vmem>>
      tpu.enqueue_dma source(%dma_start3A_154 : memref<32x128xf32, #tpu.memory_space<vmem>>) target(%dma_start3A_151 : memref<32x128xf32, #tpu.memory_space<vmem_shared>>) target_semaphore(%run_scoped3A : memref<!tpu.dma_semaphore, #tpu.memory_space<semaphore_mem>>)
      %dma_wait3A = arith.constant 0 : i32
      %dma_wait3A_155 = arith.constant 0 : i32
      %dma_wait3A_156 = tpu.memref_slice %arg7[%dma_wait3A, %dma_wait3A_155] : memref<128x128xf32, #tpu.memory_space<vmem>> -> memref<32x128xf32, #tpu.memory_space<vmem>>
      %dma_wait3A_157 = arith.constant 0 : i32
      %dma_wait3A_158 = tpu.memref_slice %arg14[%mul3A_8, %dma_wait3A_157] : memref<512x128xf32, #tpu.memory_space<vmem_shared>> -> memref<32x128xf32, #tpu.memory_space<vmem_shared>>
      %dma_wait3A_159 = arith.constant 0 : i32
      %dma_wait3A_160 = tpu.memref_slice %arg14[%mul3A_8, %dma_wait3A_159] : memref<512x128xf32, #tpu.memory_space<vmem_shared>> -> memref<32x128xf32, #tpu.memory_space<vmem_shared>>
      %dma_wait3A_161 = arith.constant 0 : i32
      %dma_wait3A_162 = arith.constant 0 : i32
      %dma_wait3A_163 = tpu.memref_slice %arg7[%dma_wait3A_161, %dma_wait3A_162] : memref<128x128xf32, #tpu.memory_space<vmem>> -> memref<32x128xf32, #tpu.memory_space<vmem>>
      tpu.wait_dma2 semaphore(%run_scoped3A : memref<!tpu.dma_semaphore, #tpu.memory_space<semaphore_mem>>) src(%dma_wait3A_163 : memref<32x128xf32, #tpu.memory_space<vmem>>) dst(%dma_wait3A_160 : memref<32x128xf32, #tpu.memory_space<vmem_shared>>)
      tpu.yield
    }) : () -> ()
    %swap3A = arith.constant 0 : index
    %swap3A_9 = tpu.vector_load %arg13[%swap3A] {strides = array<i32>} : memref<512xf32, #tpu.memory_space<vmem>>, vector<16xf32>,
    tpu.vector_store %arg13[%swap3A], %broadcast_in_dim3A_1 {strides = array<i32>} : memref<512xf32, #tpu.memory_space<vmem>>, vector<16xf32>,
    %swap3A_10 = arith.constant 16 : index
    %swap3A_11 = tpu.vector_load %arg13[%swap3A_10] {strides = array<i32>} : memref<512xf32, #tpu.memory_space<vmem>>, vector<16xf32>,
    tpu.vector_store %arg13[%swap3A_10], %broadcast_in_dim3A_1 {strides = array<i32>} : memref<512xf32, #tpu.memory_space<vmem>>, vector<16xf32>,
    %swap3A_12 = arith.constant 32 : index
    %swap3A_13 = tpu.vector_load %arg13[%swap3A_12] {strides = array<i32>} : memref<512xf32, #tpu.memory_space<vmem>>, vector<16xf32>,
    tpu.vector_store %arg13[%swap3A_12], %broadcast_in_dim3A_1 {strides = array<i32>} : memref<512xf32, #tpu.memory_space<vmem>>, vector<16xf32>,
    %swap3A_14 = arith.constant 48 : index
    %swap3A_15 = tpu.vector_load %arg13[%swap3A_14] {strides = array<i32>} : memref<512xf32, #tpu.memory_space<vmem>>, vector<16xf32>,
    tpu.vector_store %arg13[%swap3A_14], %broadcast_in_dim3A_1 {strides = array<i32>} : memref<512xf32, #tpu.memory_space<vmem>>, vector<16xf32>,
    %swap3A_16 = arith.constant 64 : index
    %swap3A_17 = tpu.vector_load %arg13[%swap3A_16] {strides = array<i32>} : memref<512xf32, #tpu.memory_space<vmem>>, vector<16xf32>,
    tpu.vector_store %arg13[%swap3A_16], %broadcast_in_dim3A_1 {strides = array<i32>} : memref<512xf32, #tpu.memory_space<vmem>>, vector<16xf32>,
    %swap3A_18 = arith.constant 80 : index
    %swap3A_19 = tpu.vector_load %arg13[%swap3A_18] {strides = array<i32>} : memref<512xf32, #tpu.memory_space<vmem>>, vector<16xf32>,
    tpu.vector_store %arg13[%swap3A_18], %broadcast_in_dim3A_1 {strides = array<i32>} : memref<512xf32, #tpu.memory_space<vmem>>, vector<16xf32>,
    %swap3A_20 = arith.constant 96 : index
    %swap3A_21 = tpu.vector_load %arg13[%swap3A_20] {strides = array<i32>} : memref<512xf32, #tpu.memory_space<vmem>>, vector<16xf32>,
    tpu.vector_store %arg13[%swap3A_20], %broadcast_in_dim3A_1 {strides = array<i32>} : memref<512xf32, #tpu.memory_space<vmem>>, vector<16xf32>,
    %swap3A_22 = arith.constant 112 : index
    %swap3A_23 = tpu.vector_load %arg13[%swap3A_22] {strides = array<i32>} : memref<512xf32, #tpu.memory_space<vmem>>, vector<16xf32>,
    tpu.vector_store %arg13[%swap3A_22], %broadcast_in_dim3A_1 {strides = array<i32>} : memref<512xf32, #tpu.memory_space<vmem>>, vector<16xf32>,
    %swap3A_24 = arith.constant 128 : index
    %swap3A_25 = tpu.vector_load %arg13[%swap3A_24] {strides = array<i32>} : memref<512xf32, #tpu.memory_space<vmem>>, vector<16xf32>,
    tpu.vector_store %arg13[%swap3A_24], %broadcast_in_dim3A_1 {strides = array<i32>} : memref<512xf32, #tpu.memory_space<vmem>>, vector<16xf32>,
    %swap3A_26 = arith.constant 144 : index
    %swap3A_27 = tpu.vector_load %arg13[%swap3A_26] {strides = array<i32>} : memref<512xf32, #tpu.memory_space<vmem>>, vector<16xf32>,
    tpu.vector_store %arg13[%swap3A_26], %broadcast_in_dim3A_1 {strides = array<i32>} : memref<512xf32, #tpu.memory_space<vmem>>, vector<16xf32>,
    %swap3A_28 = arith.constant 160 : index
    %swap3A_29 = tpu.vector_load %arg13[%swap3A_28] {strides = array<i32>} : memref<512xf32, #tpu.memory_space<vmem>>, vector<16xf32>,
    tpu.vector_store %arg13[%swap3A_28], %broadcast_in_dim3A_1 {strides = array<i32>} : memref<512xf32, #tpu.memory_space<vmem>>, vector<16xf32>,
    %swap3A_30 = arith.constant 176 : index
    %swap3A_31 = tpu.vector_load %arg13[%swap3A_30] {strides = array<i32>} : memref<512xf32, #tpu.memory_space<vmem>>, vector<16xf32>,
    tpu.vector_store %arg13[%swap3A_30], %broadcast_in_dim3A_1 {strides = array<i32>} : memref<512xf32, #tpu.memory_space<vmem>>, vector<16xf32>,
    %swap3A_32 = arith.constant 192 : index
    %swap3A_33 = tpu.vector_load %arg13[%swap3A_32] {strides = array<i32>} : memref<512xf32, #tpu.memory_space<vmem>>, vector<16xf32>,
    tpu.vector_store %arg13[%swap3A_32], %broadcast_in_dim3A_1 {strides = array<i32>} : memref<512xf32, #tpu.memory_space<vmem>>, vector<16xf32>,
    %swap3A_34 = arith.constant 208 : index
    %swap3A_35 = tpu.vector_load %arg13[%swap3A_34] {strides = array<i32>} : memref<512xf32, #tpu.memory_space<vmem>>, vector<16xf32>,
    tpu.vector_store %arg13[%swap3A_34], %broadcast_in_dim3A_1 {strides = array<i32>} : memref<512xf32, #tpu.memory_space<vmem>>, vector<16xf32>,
    %swap3A_36 = arith.constant 224 : index
    %swap3A_37 = tpu.vector_load %arg13[%swap3A_36] {strides = array<i32>} : memref<512xf32, #tpu.memory_space<vmem>>, vector<16xf32>,
    tpu.vector_store %arg13[%swap3A_36], %broadcast_in_dim3A_1 {strides = array<i32>} : memref<512xf32, #tpu.memory_space<vmem>>, vector<16xf32>,
    %swap3A_38 = arith.constant 240 : index
    %swap3A_39 = tpu.vector_load %arg13[%swap3A_38] {strides = array<i32>} : memref<512xf32, #tpu.memory_space<vmem>>, vector<16xf32>,
    tpu.vector_store %arg13[%swap3A_38], %broadcast_in_dim3A_1 {strides = array<i32>} : memref<512xf32, #tpu.memory_space<vmem>>, vector<16xf32>,
    %swap3A_40 = arith.constant 256 : index
    %swap3A_41 = tpu.vector_load %arg13[%swap3A_40] {strides = array<i32>} : memref<512xf32, #tpu.memory_space<vmem>>, vector<16xf32>,
    tpu.vector_store %arg13[%swap3A_40], %broadcast_in_dim3A_1 {strides = array<i32>} : memref<512xf32, #tpu.memory_space<vmem>>, vector<16xf32>,
    %swap3A_42 = arith.constant 272 : index
    %swap3A_43 = tpu.vector_load %arg13[%swap3A_42] {strides = array<i32>} : memref<512xf32, #tpu.memory_space<vmem>>, vector<16xf32>,
    tpu.vector_store %arg13[%swap3A_42], %broadcast_in_dim3A_1 {strides = array<i32>} : memref<512xf32, #tpu.memory_space<vmem>>, vector<16xf32>,
    %swap3A_44 = arith.constant 288 : index
    %swap3A_45 = tpu.vector_load %arg13[%swap3A_44] {strides = array<i32>} : memref<512xf32, #tpu.memory_space<vmem>>, vector<16xf32>,
    tpu.vector_store %arg13[%swap3A_44], %broadcast_in_dim3A_1 {strides = array<i32>} : memref<512xf32, #tpu.memory_space<vmem>>, vector<16xf32>,
    %swap3A_46 = arith.constant 304 : index
    %swap3A_47 = tpu.vector_load %arg13[%swap3A_46] {strides = array<i32>} : memref<512xf32, #tpu.memory_space<vmem>>, vector<16xf32>,
    tpu.vector_store %arg13[%swap3A_46], %broadcast_in_dim3A_1 {strides = array<i32>} : memref<512xf32, #tpu.memory_space<vmem>>, vector<16xf32>,
    %swap3A_48 = arith.constant 320 : index
    %swap3A_49 = tpu.vector_load %arg13[%swap3A_48] {strides = array<i32>} : memref<512xf32, #tpu.memory_space<vmem>>, vector<16xf32>,
    tpu.vector_store %arg13[%swap3A_48], %broadcast_in_dim3A_1 {strides = array<i32>} : memref<512xf32, #tpu.memory_space<vmem>>, vector<16xf32>,
    %swap3A_50 = arith.constant 336 : index
    %swap3A_51 = tpu.vector_load %arg13[%swap3A_50] {strides = array<i32>} : memref<512xf32, #tpu.memory_space<vmem>>, vector<16xf32>,
    tpu.vector_store %arg13[%swap3A_50], %broadcast_in_dim3A_1 {strides = array<i32>} : memref<512xf32, #tpu.memory_space<vmem>>, vector<16xf32>,
    %swap3A_52 = arith.constant 352 : index
    %swap3A_53 = tpu.vector_load %arg13[%swap3A_52] {strides = array<i32>} : memref<512xf32, #tpu.memory_space<vmem>>, vector<16xf32>,
    tpu.vector_store %arg13[%swap3A_52], %broadcast_in_dim3A_1 {strides = array<i32>} : memref<512xf32, #tpu.memory_space<vmem>>, vector<16xf32>,
    %swap3A_54 = arith.constant 368 : index
    %swap3A_55 = tpu.vector_load %arg13[%swap3A_54] {strides = array<i32>} : memref<512xf32, #tpu.memory_space<vmem>>, vector<16xf32>,
    tpu.vector_store %arg13[%swap3A_54], %broadcast_in_dim3A_1 {strides = array<i32>} : memref<512xf32, #tpu.memory_space<vmem>>, vector<16xf32>,
    %swap3A_56 = arith.constant 384 : index
    %swap3A_57 = tpu.vector_load %arg13[%swap3A_56] {strides = array<i32>} : memref<512xf32, #tpu.memory_space<vmem>>, vector<16xf32>,
    tpu.vector_store %arg13[%swap3A_56], %broadcast_in_dim3A_1 {strides = array<i32>} : memref<512xf32, #tpu.memory_space<vmem>>, vector<16xf32>,
    %swap3A_58 = arith.constant 400 : index
    %swap3A_59 = tpu.vector_load %arg13[%swap3A_58] {strides = array<i32>} : memref<512xf32, #tpu.memory_space<vmem>>, vector<16xf32>,
    tpu.vector_store %arg13[%swap3A_58], %broadcast_in_dim3A_1 {strides = array<i32>} : memref<512xf32, #tpu.memory_space<vmem>>, vector<16xf32>,
    %swap3A_60 = arith.constant 416 : index
    %swap3A_61 = tpu.vector_load %arg13[%swap3A_60] {strides = array<i32>} : memref<512xf32, #tpu.memory_space<vmem>>, vector<16xf32>,
    tpu.vector_store %arg13[%swap3A_60], %broadcast_in_dim3A_1 {strides = array<i32>} : memref<512xf32, #tpu.memory_space<vmem>>, vector<16xf32>,
    %swap3A_62 = arith.constant 432 : index
    %swap3A_63 = tpu.vector_load %arg13[%swap3A_62] {strides = array<i32>} : memref<512xf32, #tpu.memory_space<vmem>>, vector<16xf32>,
    tpu.vector_store %arg13[%swap3A_62], %broadcast_in_dim3A_1 {strides = array<i32>} : memref<512xf32, #tpu.memory_space<vmem>>, vector<16xf32>,
    %swap3A_64 = arith.constant 448 : index
    %swap3A_65 = tpu.vector_load %arg13[%swap3A_64] {strides = array<i32>} : memref<512xf32, #tpu.memory_space<vmem>>, vector<16xf32>,
    tpu.vector_store %arg13[%swap3A_64], %broadcast_in_dim3A_1 {strides = array<i32>} : memref<512xf32, #tpu.memory_space<vmem>>, vector<16xf32>,
    %swap3A_66 = arith.constant 464 : index
    %swap3A_67 = tpu.vector_load %arg13[%swap3A_66] {strides = array<i32>} : memref<512xf32, #tpu.memory_space<vmem>>, vector<16xf32>,
    tpu.vector_store %arg13[%swap3A_66], %broadcast_in_dim3A_1 {strides = array<i32>} : memref<512xf32, #tpu.memory_space<vmem>>, vector<16xf32>,
    %swap3A_68 = arith.constant 480 : index
    %swap3A_69 = tpu.vector_load %arg13[%swap3A_68] {strides = array<i32>} : memref<512xf32, #tpu.memory_space<vmem>>, vector<16xf32>,
    tpu.vector_store %arg13[%swap3A_68], %broadcast_in_dim3A_1 {strides = array<i32>} : memref<512xf32, #tpu.memory_space<vmem>>, vector<16xf32>,
    %swap3A_70 = arith.constant 496 : index
    %swap3A_71 = tpu.vector_load %arg13[%swap3A_70] {strides = array<i32>} : memref<512xf32, #tpu.memory_space<vmem>>, vector<16xf32>,
    tpu.vector_store %arg13[%swap3A_70], %broadcast_in_dim3A_1 {strides = array<i32>} : memref<512xf32, #tpu.memory_space<vmem>>, vector<16xf32>,
    %barrier3A = arith.constant 0 : index
    tpu.barrier barrier_id(%barrier3A)
    %broadcast_in_dim3A_72 = arith.constant 1.000000e+00 : f32
    %broadcast_in_dim3A_73 = vector.broadcast %broadcast_in_dim3A_72 : f32 to vector<16xf32>
    %mul3A_74 = arith.constant 24 : i32
    %mul3A_75 = arith.muli %add3A, %mul3A_74 : i32
    %min3A = arith.constant 13 : i32
    %min3A_76 = arith.minsi %add3A, %min3A : i32
    %add3A_77 = arith.addi %mul3A_75, %min3A_76 : i32
    %lt3A = arith.constant 13 : i32
    %lt3A_78 = arith.cmpi slt, %add3A, %lt3A : i32
    %jit3A = arith.constant 1 : i32
    %jit3A_79 = arith.constant 0 : i32
    %select_n3A = arith.select %lt3A_78, %jit3A, %jit3A_79 : i32
    %add3A_80 = arith.constant 24 : i32
    %add3A_81 = arith.addi %add3A_80, %select_n3A : i32
    %jit3A_82 = arith.constant 8 : i32
    %div3A = arith.divsi %add3A_77, %jit3A_82 : i32
    %sign3A = arith.constant 0 : i32
    %sign3A_83 = arith.cmpi sgt, %add3A_77, %sign3A : i32
    %sign3A_84 = arith.extui %sign3A_83 : i1 to i32
    %sign3A_85 = arith.constant 0 : i32
    %sign3A_86 = arith.cmpi slt, %add3A_77, %sign3A_85 : i32
    %sign3A_87 = arith.extui %sign3A_86 : i1 to i32
    %sign3A_88 = arith.subi %sign3A_84, %sign3A_87 : i32
    %sign3A_89 = arith.constant 0 : i32
    %sign3A_90 = arith.cmpi sgt, %jit3A_82, %sign3A_89 : i32
    %sign3A_91 = arith.extui %sign3A_90 : i1 to i32
    %sign3A_92 = arith.constant 0 : i32
    %sign3A_93 = arith.cmpi slt, %jit3A_82, %sign3A_92 : i32
    %sign3A_94 = arith.extui %sign3A_93 : i1 to i32
    %sign3A_95 = arith.subi %sign3A_91, %sign3A_94 : i32
    %ne3A = arith.cmpi ne, %sign3A_88, %sign3A_95 : i32
    %rem3A = arith.remsi %add3A_77, %jit3A_82 : i32
    %ne3A_96 = arith.constant 0 : i32
    %ne3A_97 = arith.cmpi ne, %rem3A, %ne3A_96 : i32
    %and3A = arith.andi %ne3A, %ne3A_97 : i1
    %sub3A = arith.constant 1 : i32
    %sub3A_98 = arith.subi %div3A, %sub3A : i32
    %select_n3A_99 = arith.select %and3A, %sub3A_98, %div3A : i32
    %mul3A_100 = arith.constant 8 : i32
    %mul3A_101 = arith.muli %select_n3A_99, %mul3A_100 : i32
    %sub3A_102 = arith.subi %add3A_77, %mul3A_101 : i32
    "tpu.region"() ({
      %run_scoped3A = tpu.sem_alloc : memref<!tpu.dma_semaphore, #tpu.memory_space<semaphore_mem>>
      %dma_start3A_145 = arith.constant 0 : i32
      %dma_start3A_146 = tpu.memref_slice %arg4[%mul3A_101, %dma_start3A_145] : memref<784x128xi32, #tpu.memory_space<hbm>> -> memref<32x128xi32, #tpu.memory_space<hbm>>
      %dma_start3A_147 = arith.constant 0 : i32
      %dma_start3A_148 = tpu.memref_slice %arg4[%mul3A_101, %dma_start3A_147] : memref<784x128xi32, #tpu.memory_space<hbm>> -> memref<32x128xi32, #tpu.memory_space<hbm>>
      tpu.enqueue_dma source(%dma_start3A_148 : memref<32x128xi32, #tpu.memory_space<hbm>>) target(%arg11 : memref<32x128xi32, #tpu.memory_space<vmem>>) target_semaphore(%run_scoped3A : memref<!tpu.dma_semaphore, #tpu.memory_space<semaphore_mem>>)
      %dma_wait3A = arith.constant 0 : i32
      %dma_wait3A_149 = tpu.memref_slice %arg4[%mul3A_101, %dma_wait3A] : memref<784x128xi32, #tpu.memory_space<hbm>> -> memref<32x128xi32, #tpu.memory_space<hbm>>
      %dma_wait3A_150 = arith.constant 0 : i32
      %dma_wait3A_151 = tpu.memref_slice %arg4[%mul3A_101, %dma_wait3A_150] : memref<784x128xi32, #tpu.memory_space<hbm>> -> memref<32x128xi32, #tpu.memory_space<hbm>>
      tpu.wait_dma2 semaphore(%run_scoped3A : memref<!tpu.dma_semaphore, #tpu.memory_space<semaphore_mem>>) src(%dma_wait3A_151 : memref<32x128xi32, #tpu.memory_space<hbm>>) dst(%arg11 : memref<32x128xi32, #tpu.memory_space<vmem>>)
      tpu.yield
    }) : () -> ()
    %add3A_103 = arith.constant 0 : i32
    %add3A_104 = arith.addi %add3A_77, %add3A_103 : i32
    %mul3A_105 = arith.constant 128 : i32
    %mul3A_106 = arith.muli %add3A_104, %mul3A_105 : i32
    %dma_start3A = arith.constant 0 : i32
    %dma_start3A_107 = tpu.memref_slice %arg2[%mul3A_106, %dma_start3A] : memref<100000x128xf32, #tpu.memory_space<hbm>> -> memref<128x128xf32, #tpu.memory_space<hbm>>
    %dma_start3A_108 = arith.constant 0 : i32
    %dma_start3A_109 = tpu.memref_slice %arg2[%mul3A_106, %dma_start3A_108] : memref<100000x128xf32, #tpu.memory_space<hbm>> -> memref<128x128xf32, #tpu.memory_space<hbm>>
    tpu.enqueue_dma source(%dma_start3A_109 : memref<128x128xf32, #tpu.memory_space<hbm>>) target(%arg7 : memref<128x128xf32, #tpu.memory_space<vmem>>) target_semaphore(%arg15 : memref<!tpu.dma_semaphore, #tpu.memory_space<semaphore_mem>>)
    %add3A_110 = arith.constant 1 : i32
    %add3A_111 = arith.addi %add3A_77, %add3A_110 : i32
    %mul3A_112 = arith.constant 128 : i32
    %mul3A_113 = arith.muli %add3A_111, %mul3A_112 : i32
    %dma_start3A_114 = arith.constant 0 : i32
    %dma_start3A_115 = tpu.memref_slice %arg2[%mul3A_113, %dma_start3A_114] : memref<100000x128xf32, #tpu.memory_space<hbm>> -> memref<128x128xf32, #tpu.memory_space<hbm>>
    %dma_start3A_116 = arith.constant 0 : i32
    %dma_start3A_117 = tpu.memref_slice %arg2[%mul3A_113, %dma_start3A_116] : memref<100000x128xf32, #tpu.memory_space<hbm>> -> memref<128x128xf32, #tpu.memory_space<hbm>>
    tpu.enqueue_dma source(%dma_start3A_117 : memref<128x128xf32, #tpu.memory_space<hbm>>) target(%arg8 : memref<128x128xf32, #tpu.memory_space<vmem>>) target_semaphore(%arg16 : memref<!tpu.dma_semaphore, #tpu.memory_space<semaphore_mem>>)
    %scan3A_118 = arith.constant 0 : i32
    %scan3A_119 = arith.constant 0 : i32
    %scan3A_120 = arith.constant 6 : i32
    %scan3A_121 = arith.addi %scan3A_119, %scan3A_120 : i32
    %scan3A_122 = arith.constant 1 : i32
    scf.for %scan3A_145 = %scan3A_119 to %scan3A_121 step %scan3A_122  : i32 {
      %mul3A_146 = arith.constant 4 : i32
      %mul3A_147 = arith.muli %mul3A_146, %scan3A_145 : i32
      %add3A_148 = arith.constant 0 : i32
      %add3A_149 = arith.addi %mul3A_147, %add3A_148 : i32
      %add3A_150 = arith.addi %add3A_77, %add3A_149 : i32
      %mul3A_151 = arith.constant 128 : i32
      %mul3A_152 = arith.muli %add3A_150, %mul3A_151 : i32
      %dma_wait3A = arith.constant 0 : i32
      %dma_wait3A_153 = tpu.memref_slice %arg2[%mul3A_152, %dma_wait3A] : memref<100000x128xf32, #tpu.memory_space<hbm>> -> memref<128x128xf32, #tpu.memory_space<hbm>>
      %dma_wait3A_154 = arith.constant 0 : i32
      %dma_wait3A_155 = tpu.memref_slice %arg2[%mul3A_152, %dma_wait3A_154] : memref<100000x128xf32, #tpu.memory_space<hbm>> -> memref<128x128xf32, #tpu.memory_space<hbm>>
      tpu.wait_dma2 semaphore(%arg15 : memref<!tpu.dma_semaphore, #tpu.memory_space<semaphore_mem>>) src(%dma_wait3A_155 : memref<128x128xf32, #tpu.memory_space<hbm>>) dst(%arg7 : memref<128x128xf32, #tpu.memory_space<vmem>>)
      %add3A_156 = arith.addi %sub3A_102, %add3A_149 : i32
      %dma_start3A_157 = arith.constant 0 : i32
      %dma_start3A_158 = tpu.memref_slice %arg11[%add3A_156, %dma_start3A_157] : memref<32x128xi32, #tpu.memory_space<vmem>> -> memref<1x128xi32, #tpu.memory_space<vmem>>
      %dma_start3A_159 = tpu.memref_squeeze %dma_start3A_158 : memref<1x128xi32, #tpu.memory_space<vmem>> -> memref<128xi32, #tpu.memory_space<vmem>>
      %dma_start3A_160 = arith.constant 0 : i32
      %dma_start3A_161 = arith.constant 0 : i32
      %dma_start3A_162 = tpu.memref_slice %arg14[%dma_start3A_160, %dma_start3A_161] : memref<512x128xf32, #tpu.memory_space<vmem_shared>> -> memref<512x128xf32, #tpu.memory_space<vmem_shared>>
      tpu.enqueue_indirect_dma source(%arg7 : memref<128x128xf32, #tpu.memory_space<vmem>>) target(%dma_start3A_162 : memref<512x128xf32, #tpu.memory_space<vmem_shared>>) offsets(%dma_start3A_159 : memref<128xi32, #tpu.memory_space<vmem>>) semaphore(%arg19 : memref<!tpu.dma_semaphore, #tpu.memory_space<semaphore_mem>>) {add = true}
      %add3A_163 = arith.addi %sub3A_102, %add3A_149 : i32
      %get3A = arith.index_cast %add3A_163 : i32 to index
      %get3A_164 = arith.constant 0 : index
      %get3A_165 = tpu.vector_load %arg11[%get3A, %get3A_164] {strides = array<i32>} : memref<32x128xi32, #tpu.memory_space<vmem>>, vector<16xi32>,
      tpu.vector_store_idx %arg13[%get3A_165], %broadcast_in_dim3A_73 {add = true} : memref<512xf32, #tpu.memory_space<vmem>>[vector<16xi32>], vector<16xf32>,
      %add3A_166 = arith.addi %sub3A_102, %add3A_149 : i32
      %get3A_167 = arith.index_cast %add3A_166 : i32 to index
      %get3A_168 = arith.constant 16 : index
      %get3A_169 = tpu.vector_load %arg11[%get3A_167, %get3A_168] {strides = array<i32>} : memref<32x128xi32, #tpu.memory_space<vmem>>, vector<16xi32>,
      tpu.vector_store_idx %arg13[%get3A_169], %broadcast_in_dim3A_73 {add = true} : memref<512xf32, #tpu.memory_space<vmem>>[vector<16xi32>], vector<16xf32>,
      %add3A_170 = arith.addi %sub3A_102, %add3A_149 : i32
      %get3A_171 = arith.index_cast %add3A_170 : i32 to index
      %get3A_172 = arith.constant 32 : index
      %get3A_173 = tpu.vector_load %arg11[%get3A_171, %get3A_172] {strides = array<i32>} : memref<32x128xi32, #tpu.memory_space<vmem>>, vector<16xi32>,
      tpu.vector_store_idx %arg13[%get3A_173], %broadcast_in_dim3A_73 {add = true} : memref<512xf32, #tpu.memory_space<vmem>>[vector<16xi32>], vector<16xf32>,
      %add3A_174 = arith.addi %sub3A_102, %add3A_149 : i32
      %get3A_175 = arith.index_cast %add3A_174 : i32 to index
      %get3A_176 = arith.constant 48 : index
      %get3A_177 = tpu.vector_load %arg11[%get3A_175, %get3A_176] {strides = array<i32>} : memref<32x128xi32, #tpu.memory_space<vmem>>, vector<16xi32>,
      tpu.vector_store_idx %arg13[%get3A_177], %broadcast_in_dim3A_73 {add = true} : memref<512xf32, #tpu.memory_space<vmem>>[vector<16xi32>], vector<16xf32>,
      %add3A_178 = arith.addi %sub3A_102, %add3A_149 : i32
      %get3A_179 = arith.index_cast %add3A_178 : i32 to index
      %get3A_180 = arith.constant 64 : index
      %get3A_181 = tpu.vector_load %arg11[%get3A_179, %get3A_180] {strides = array<i32>} : memref<32x128xi32, #tpu.memory_space<vmem>>, vector<16xi32>,
      tpu.vector_store_idx %arg13[%get3A_181], %broadcast_in_dim3A_73 {add = true} : memref<512xf32, #tpu.memory_space<vmem>>[vector<16xi32>], vector<16xf32>,
      %add3A_182 = arith.addi %sub3A_102, %add3A_149 : i32
      %get3A_183 = arith.index_cast %add3A_182 : i32 to index
      %get3A_184 = arith.constant 80 : index
      %get3A_185 = tpu.vector_load %arg11[%get3A_183, %get3A_184] {strides = array<i32>} : memref<32x128xi32, #tpu.memory_space<vmem>>, vector<16xi32>,
      tpu.vector_store_idx %arg13[%get3A_185], %broadcast_in_dim3A_73 {add = true} : memref<512xf32, #tpu.memory_space<vmem>>[vector<16xi32>], vector<16xf32>,
      %add3A_186 = arith.addi %sub3A_102, %add3A_149 : i32
      %get3A_187 = arith.index_cast %add3A_186 : i32 to index
      %get3A_188 = arith.constant 96 : index
      %get3A_189 = tpu.vector_load %arg11[%get3A_187, %get3A_188] {strides = array<i32>} : memref<32x128xi32, #tpu.memory_space<vmem>>, vector<16xi32>,
      tpu.vector_store_idx %arg13[%get3A_189], %broadcast_in_dim3A_73 {add = true} : memref<512xf32, #tpu.memory_space<vmem>>[vector<16xi32>], vector<16xf32>,
      %add3A_190 = arith.addi %sub3A_102, %add3A_149 : i32
      %get3A_191 = arith.index_cast %add3A_190 : i32 to index
      %get3A_192 = arith.constant 112 : index
      %get3A_193 = tpu.vector_load %arg11[%get3A_191, %get3A_192] {strides = array<i32>} : memref<32x128xi32, #tpu.memory_space<vmem>>, vector<16xi32>,
      tpu.vector_store_idx %arg13[%get3A_193], %broadcast_in_dim3A_73 {add = true} : memref<512xf32, #tpu.memory_space<vmem>>[vector<16xi32>], vector<16xf32>,
      %ge3A = arith.constant 2 : i32
      %ge3A_194 = arith.cmpi sge, %add3A_149, %ge3A : i32
      %convert_element_type3A_195 = arith.extui %ge3A_194 : i1 to i32
      %cond3A_196 = arith.constant 0 : i32
      %cond3A_197 = arith.cmpi ne, %convert_element_type3A_195, %cond3A_196 : i32
      scf.if %cond3A_197 {
        %sub3A_387 = arith.constant 2 : i32
        %sub3A_388 = arith.subi %add3A_149, %sub3A_387 : i32
        %add3A_389 = arith.addi %sub3A_102, %sub3A_388 : i32
        %dma_wait3A_390 = arith.constant 0 : i32
        %dma_wait3A_391 = tpu.memref_slice %arg11[%add3A_389, %dma_wait3A_390] : memref<32x128xi32, #tpu.memory_space<vmem>> -> memref<1x128xi32, #tpu.memory_space<vmem>>
        %dma_wait3A_392 = tpu.memref_squeeze %dma_wait3A_391 : memref<1x128xi32, #tpu.memory_space<vmem>> -> memref<128xi32, #tpu.memory_space<vmem>>
        %dma_wait3A_393 = arith.constant 0 : i32
        %dma_wait3A_394 = arith.constant 0 : i32
        %dma_wait3A_395 = tpu.memref_slice %arg14[%dma_wait3A_393, %dma_wait3A_394] : memref<512x128xf32, #tpu.memory_space<vmem_shared>> -> memref<512x128xf32, #tpu.memory_space<vmem_shared>>
        tpu.wait_indirect_dma semaphore(%arg21 : memref<!tpu.dma_semaphore, #tpu.memory_space<semaphore_mem>>) src(%arg9 : memref<128x128xf32, #tpu.memory_space<vmem>>) dst(%dma_wait3A_395 : memref<512x128xf32, #tpu.memory_space<vmem_shared>>)
      } else {
      }
      %add3A_198 = arith.constant 2 : i32
      %add3A_199 = arith.addi %add3A_149, %add3A_198 : i32
      %lt3A_200 = arith.cmpi slt, %add3A_199, %add3A_81 : i32
      %convert_element_type3A_201 = arith.extui %lt3A_200 : i1 to i32
      %cond3A_202 = arith.constant 0 : i32
      %cond3A_203 = arith.cmpi ne, %convert_element_type3A_201, %cond3A_202 : i32
      scf.if %cond3A_203 {
        %add3A_387 = arith.constant 2 : i32
        %add3A_388 = arith.addi %add3A_149, %add3A_387 : i32
        %add3A_389 = arith.addi %add3A_77, %add3A_388 : i32
        %mul3A_390 = arith.constant 128 : i32
        %mul3A_391 = arith.muli %add3A_389, %mul3A_390 : i32
        %dma_start3A_392 = arith.constant 0 : i32
        %dma_start3A_393 = tpu.memref_slice %arg2[%mul3A_391, %dma_start3A_392] : memref<100000x128xf32, #tpu.memory_space<hbm>> -> memref<128x128xf32, #tpu.memory_space<hbm>>
        %dma_start3A_394 = arith.constant 0 : i32
        %dma_start3A_395 = tpu.memref_slice %arg2[%mul3A_391, %dma_start3A_394] : memref<100000x128xf32, #tpu.memory_space<hbm>> -> memref<128x128xf32, #tpu.memory_space<hbm>>
        tpu.enqueue_dma source(%dma_start3A_395 : memref<128x128xf32, #tpu.memory_space<hbm>>) target(%arg9 : memref<128x128xf32, #tpu.memory_space<vmem>>) target_semaphore(%arg17 : memref<!tpu.dma_semaphore, #tpu.memory_space<semaphore_mem>>)
      } else {
      }
      %mul3A_204 = arith.constant 4 : i32
      %mul3A_205 = arith.muli %mul3A_204, %scan3A_145 : i32
      %add3A_206 = arith.constant 1 : i32
      %add3A_207 = arith.addi %mul3A_205, %add3A_206 : i32
      %add3A_208 = arith.addi %add3A_77, %add3A_207 : i32
      %mul3A_209 = arith.constant 128 : i32
      %mul3A_210 = arith.muli %add3A_208, %mul3A_209 : i32
      %dma_wait3A_211 = arith.constant 0 : i32
      %dma_wait3A_212 = tpu.memref_slice %arg2[%mul3A_210, %dma_wait3A_211] : memref<100000x128xf32, #tpu.memory_space<hbm>> -> memref<128x128xf32, #tpu.memory_space<hbm>>
      %dma_wait3A_213 = arith.constant 0 : i32
      %dma_wait3A_214 = tpu.memref_slice %arg2[%mul3A_210, %dma_wait3A_213] : memref<100000x128xf32, #tpu.memory_space<hbm>> -> memref<128x128xf32, #tpu.memory_space<hbm>>
      tpu.wait_dma2 semaphore(%arg16 : memref<!tpu.dma_semaphore, #tpu.memory_space<semaphore_mem>>) src(%dma_wait3A_214 : memref<128x128xf32, #tpu.memory_space<hbm>>) dst(%arg8 : memref<128x128xf32, #tpu.memory_space<vmem>>)
      %add3A_215 = arith.addi %sub3A_102, %add3A_207 : i32
      %dma_start3A_216 = arith.constant 0 : i32
      %dma_start3A_217 = tpu.memref_slice %arg11[%add3A_215, %dma_start3A_216] : memref<32x128xi32, #tpu.memory_space<vmem>> -> memref<1x128xi32, #tpu.memory_space<vmem>>
      %dma_start3A_218 = tpu.memref_squeeze %dma_start3A_217 : memref<1x128xi32, #tpu.memory_space<vmem>> -> memref<128xi32, #tpu.memory_space<vmem>>
      %dma_start3A_219 = arith.constant 0 : i32
      %dma_start3A_220 = arith.constant 0 : i32
      %dma_start3A_221 = tpu.memref_slice %arg14[%dma_start3A_219, %dma_start3A_220] : memref<512x128xf32, #tpu.memory_space<vmem_shared>> -> memref<512x128xf32, #tpu.memory_space<vmem_shared>>
      tpu.enqueue_indirect_dma source(%arg8 : memref<128x128xf32, #tpu.memory_space<vmem>>) target(%dma_start3A_221 : memref<512x128xf32, #tpu.memory_space<vmem_shared>>) offsets(%dma_start3A_218 : memref<128xi32, #tpu.memory_space<vmem>>) semaphore(%arg20 : memref<!tpu.dma_semaphore, #tpu.memory_space<semaphore_mem>>) {add = true}
      %add3A_222 = arith.addi %sub3A_102, %add3A_207 : i32
      %get3A_223 = arith.index_cast %add3A_222 : i32 to index
      %get3A_224 = arith.constant 0 : index
      %get3A_225 = tpu.vector_load %arg11[%get3A_223, %get3A_224] {strides = array<i32>} : memref<32x128xi32, #tpu.memory_space<vmem>>, vector<16xi32>,
      tpu.vector_store_idx %arg13[%get3A_225], %broadcast_in_dim3A_73 {add = true} : memref<512xf32, #tpu.memory_space<vmem>>[vector<16xi32>], vector<16xf32>,
      %add3A_226 = arith.addi %sub3A_102, %add3A_207 : i32
      %get3A_227 = arith.index_cast %add3A_226 : i32 to index
      %get3A_228 = arith.constant 16 : index
      %get3A_229 = tpu.vector_load %arg11[%get3A_227, %get3A_228] {strides = array<i32>} : memref<32x128xi32, #tpu.memory_space<vmem>>, vector<16xi32>,
      tpu.vector_store_idx %arg13[%get3A_229], %broadcast_in_dim3A_73 {add = true} : memref<512xf32, #tpu.memory_space<vmem>>[vector<16xi32>], vector<16xf32>,
      %add3A_230 = arith.addi %sub3A_102, %add3A_207 : i32
      %get3A_231 = arith.index_cast %add3A_230 : i32 to index
      %get3A_232 = arith.constant 32 : index
      %get3A_233 = tpu.vector_load %arg11[%get3A_231, %get3A_232] {strides = array<i32>} : memref<32x128xi32, #tpu.memory_space<vmem>>, vector<16xi32>,
      tpu.vector_store_idx %arg13[%get3A_233], %broadcast_in_dim3A_73 {add = true} : memref<512xf32, #tpu.memory_space<vmem>>[vector<16xi32>], vector<16xf32>,
      %add3A_234 = arith.addi %sub3A_102, %add3A_207 : i32
      %get3A_235 = arith.index_cast %add3A_234 : i32 to index
      %get3A_236 = arith.constant 48 : index
      %get3A_237 = tpu.vector_load %arg11[%get3A_235, %get3A_236] {strides = array<i32>} : memref<32x128xi32, #tpu.memory_space<vmem>>, vector<16xi32>,
      tpu.vector_store_idx %arg13[%get3A_237], %broadcast_in_dim3A_73 {add = true} : memref<512xf32, #tpu.memory_space<vmem>>[vector<16xi32>], vector<16xf32>,
      %add3A_238 = arith.addi %sub3A_102, %add3A_207 : i32
      %get3A_239 = arith.index_cast %add3A_238 : i32 to index
      %get3A_240 = arith.constant 64 : index
      %get3A_241 = tpu.vector_load %arg11[%get3A_239, %get3A_240] {strides = array<i32>} : memref<32x128xi32, #tpu.memory_space<vmem>>, vector<16xi32>,
      tpu.vector_store_idx %arg13[%get3A_241], %broadcast_in_dim3A_73 {add = true} : memref<512xf32, #tpu.memory_space<vmem>>[vector<16xi32>], vector<16xf32>,
      %add3A_242 = arith.addi %sub3A_102, %add3A_207 : i32
      %get3A_243 = arith.index_cast %add3A_242 : i32 to index
      %get3A_244 = arith.constant 80 : index
      %get3A_245 = tpu.vector_load %arg11[%get3A_243, %get3A_244] {strides = array<i32>} : memref<32x128xi32, #tpu.memory_space<vmem>>, vector<16xi32>,
      tpu.vector_store_idx %arg13[%get3A_245], %broadcast_in_dim3A_73 {add = true} : memref<512xf32, #tpu.memory_space<vmem>>[vector<16xi32>], vector<16xf32>,
      %add3A_246 = arith.addi %sub3A_102, %add3A_207 : i32
      %get3A_247 = arith.index_cast %add3A_246 : i32 to index
      %get3A_248 = arith.constant 96 : index
      %get3A_249 = tpu.vector_load %arg11[%get3A_247, %get3A_248] {strides = array<i32>} : memref<32x128xi32, #tpu.memory_space<vmem>>, vector<16xi32>,
      tpu.vector_store_idx %arg13[%get3A_249], %broadcast_in_dim3A_73 {add = true} : memref<512xf32, #tpu.memory_space<vmem>>[vector<16xi32>], vector<16xf32>,
      %add3A_250 = arith.addi %sub3A_102, %add3A_207 : i32
      %get3A_251 = arith.index_cast %add3A_250 : i32 to index
      %get3A_252 = arith.constant 112 : index
      %get3A_253 = tpu.vector_load %arg11[%get3A_251, %get3A_252] {strides = array<i32>} : memref<32x128xi32, #tpu.memory_space<vmem>>, vector<16xi32>,
      tpu.vector_store_idx %arg13[%get3A_253], %broadcast_in_dim3A_73 {add = true} : memref<512xf32, #tpu.memory_space<vmem>>[vector<16xi32>], vector<16xf32>,
      %ge3A_254 = arith.constant 2 : i32
      %ge3A_255 = arith.cmpi sge, %add3A_207, %ge3A_254 : i32
      %convert_element_type3A_256 = arith.extui %ge3A_255 : i1 to i32
      %cond3A_257 = arith.constant 0 : i32
      %cond3A_258 = arith.cmpi ne, %convert_element_type3A_256, %cond3A_257 : i32
      scf.if %cond3A_258 {
        %sub3A_387 = arith.constant 2 : i32
        %sub3A_388 = arith.subi %add3A_207, %sub3A_387 : i32
        %add3A_389 = arith.addi %sub3A_102, %sub3A_388 : i32
        %dma_wait3A_390 = arith.constant 0 : i32
        %dma_wait3A_391 = tpu.memref_slice %arg11[%add3A_389, %dma_wait3A_390] : memref<32x128xi32, #tpu.memory_space<vmem>> -> memref<1x128xi32, #tpu.memory_space<vmem>>
        %dma_wait3A_392 = tpu.memref_squeeze %dma_wait3A_391 : memref<1x128xi32, #tpu.memory_space<vmem>> -> memref<128xi32, #tpu.memory_space<vmem>>
        %dma_wait3A_393 = arith.constant 0 : i32
        %dma_wait3A_394 = arith.constant 0 : i32
        %dma_wait3A_395 = tpu.memref_slice %arg14[%dma_wait3A_393, %dma_wait3A_394] : memref<512x128xf32, #tpu.memory_space<vmem_shared>> -> memref<512x128xf32, #tpu.memory_space<vmem_shared>>
        tpu.wait_indirect_dma semaphore(%arg22 : memref<!tpu.dma_semaphore, #tpu.memory_space<semaphore_mem>>) src(%arg10 : memref<128x128xf32, #tpu.memory_space<vmem>>) dst(%dma_wait3A_395 : memref<512x128xf32, #tpu.memory_space<vmem_shared>>)
      } else {
      }
      %add3A_259 = arith.constant 2 : i32
      %add3A_260 = arith.addi %add3A_207, %add3A_259 : i32
      %lt3A_261 = arith.cmpi slt, %add3A_260, %add3A_81 : i32
      %convert_element_type3A_262 = arith.extui %lt3A_261 : i1 to i32
      %cond3A_263 = arith.constant 0 : i32
      %cond3A_264 = arith.cmpi ne, %convert_element_type3A_262, %cond3A_263 : i32
      scf.if %cond3A_264 {
        %add3A_387 = arith.constant 2 : i32
        %add3A_388 = arith.addi %add3A_207, %add3A_387 : i32
        %add3A_389 = arith.addi %add3A_77, %add3A_388 : i32
        %mul3A_390 = arith.constant 128 : i32
        %mul3A_391 = arith.muli %add3A_389, %mul3A_390 : i32
        %dma_start3A_392 = arith.constant 0 : i32
        %dma_start3A_393 = tpu.memref_slice %arg2[%mul3A_391, %dma_start3A_392] : memref<100000x128xf32, #tpu.memory_space<hbm>> -> memref<128x128xf32, #tpu.memory_space<hbm>>
        %dma_start3A_394 = arith.constant 0 : i32
        %dma_start3A_395 = tpu.memref_slice %arg2[%mul3A_391, %dma_start3A_394] : memref<100000x128xf32, #tpu.memory_space<hbm>> -> memref<128x128xf32, #tpu.memory_space<hbm>>
        tpu.enqueue_dma source(%dma_start3A_395 : memref<128x128xf32, #tpu.memory_space<hbm>>) target(%arg10 : memref<128x128xf32, #tpu.memory_space<vmem>>) target_semaphore(%arg18 : memref<!tpu.dma_semaphore, #tpu.memory_space<semaphore_mem>>)
      } else {
      }
      %mul3A_265 = arith.constant 4 : i32
      %mul3A_266 = arith.muli %mul3A_265, %scan3A_145 : i32
      %add3A_267 = arith.constant 2 : i32
      %add3A_268 = arith.addi %mul3A_266, %add3A_267 : i32
      %add3A_269 = arith.addi %add3A_77, %add3A_268 : i32
      %mul3A_270 = arith.constant 128 : i32
      %mul3A_271 = arith.muli %add3A_269, %mul3A_270 : i32
      %dma_wait3A_272 = arith.constant 0 : i32
      %dma_wait3A_273 = tpu.memref_slice %arg2[%mul3A_271, %dma_wait3A_272] : memref<100000x128xf32, #tpu.memory_space<hbm>> -> memref<128x128xf32, #tpu.memory_space<hbm>>
      %dma_wait3A_274 = arith.constant 0 : i32
      %dma_wait3A_275 = tpu.memref_slice %arg2[%mul3A_271, %dma_wait3A_274] : memref<100000x128xf32, #tpu.memory_space<hbm>> -> memref<128x128xf32, #tpu.memory_space<hbm>>
      tpu.wait_dma2 semaphore(%arg17 : memref<!tpu.dma_semaphore, #tpu.memory_space<semaphore_mem>>) src(%dma_wait3A_275 : memref<128x128xf32, #tpu.memory_space<hbm>>) dst(%arg9 : memref<128x128xf32, #tpu.memory_space<vmem>>)
      %add3A_276 = arith.addi %sub3A_102, %add3A_268 : i32
      %dma_start3A_277 = arith.constant 0 : i32
      %dma_start3A_278 = tpu.memref_slice %arg11[%add3A_276, %dma_start3A_277] : memref<32x128xi32, #tpu.memory_space<vmem>> -> memref<1x128xi32, #tpu.memory_space<vmem>>
      %dma_start3A_279 = tpu.memref_squeeze %dma_start3A_278 : memref<1x128xi32, #tpu.memory_space<vmem>> -> memref<128xi32, #tpu.memory_space<vmem>>
      %dma_start3A_280 = arith.constant 0 : i32
      %dma_start3A_281 = arith.constant 0 : i32
      %dma_start3A_282 = tpu.memref_slice %arg14[%dma_start3A_280, %dma_start3A_281] : memref<512x128xf32, #tpu.memory_space<vmem_shared>> -> memref<512x128xf32, #tpu.memory_space<vmem_shared>>
      tpu.enqueue_indirect_dma source(%arg9 : memref<128x128xf32, #tpu.memory_space<vmem>>) target(%dma_start3A_282 : memref<512x128xf32, #tpu.memory_space<vmem_shared>>) offsets(%dma_start3A_279 : memref<128xi32, #tpu.memory_space<vmem>>) semaphore(%arg21 : memref<!tpu.dma_semaphore, #tpu.memory_space<semaphore_mem>>) {add = true}
      %add3A_283 = arith.addi %sub3A_102, %add3A_268 : i32
      %get3A_284 = arith.index_cast %add3A_283 : i32 to index
      %get3A_285 = arith.constant 0 : index
      %get3A_286 = tpu.vector_load %arg11[%get3A_284, %get3A_285] {strides = array<i32>} : memref<32x128xi32, #tpu.memory_space<vmem>>, vector<16xi32>,
      tpu.vector_store_idx %arg13[%get3A_286], %broadcast_in_dim3A_73 {add = true} : memref<512xf32, #tpu.memory_space<vmem>>[vector<16xi32>], vector<16xf32>,
      %add3A_287 = arith.addi %sub3A_102, %add3A_268 : i32
      %get3A_288 = arith.index_cast %add3A_287 : i32 to index
      %get3A_289 = arith.constant 16 : index
      %get3A_290 = tpu.vector_load %arg11[%get3A_288, %get3A_289] {strides = array<i32>} : memref<32x128xi32, #tpu.memory_space<vmem>>, vector<16xi32>,
      tpu.vector_store_idx %arg13[%get3A_290], %broadcast_in_dim3A_73 {add = true} : memref<512xf32, #tpu.memory_space<vmem>>[vector<16xi32>], vector<16xf32>,
      %add3A_291 = arith.addi %sub3A_102, %add3A_268 : i32
      %get3A_292 = arith.index_cast %add3A_291 : i32 to index
      %get3A_293 = arith.constant 32 : index
      %get3A_294 = tpu.vector_load %arg11[%get3A_292, %get3A_293] {strides = array<i32>} : memref<32x128xi32, #tpu.memory_space<vmem>>, vector<16xi32>,
      tpu.vector_store_idx %arg13[%get3A_294], %broadcast_in_dim3A_73 {add = true} : memref<512xf32, #tpu.memory_space<vmem>>[vector<16xi32>], vector<16xf32>,
      %add3A_295 = arith.addi %sub3A_102, %add3A_268 : i32
      %get3A_296 = arith.index_cast %add3A_295 : i32 to index
      %get3A_297 = arith.constant 48 : index
      %get3A_298 = tpu.vector_load %arg11[%get3A_296, %get3A_297] {strides = array<i32>} : memref<32x128xi32, #tpu.memory_space<vmem>>, vector<16xi32>,
      tpu.vector_store_idx %arg13[%get3A_298], %broadcast_in_dim3A_73 {add = true} : memref<512xf32, #tpu.memory_space<vmem>>[vector<16xi32>], vector<16xf32>,
      %add3A_299 = arith.addi %sub3A_102, %add3A_268 : i32
      %get3A_300 = arith.index_cast %add3A_299 : i32 to index
      %get3A_301 = arith.constant 64 : index
      %get3A_302 = tpu.vector_load %arg11[%get3A_300, %get3A_301] {strides = array<i32>} : memref<32x128xi32, #tpu.memory_space<vmem>>, vector<16xi32>,
      tpu.vector_store_idx %arg13[%get3A_302], %broadcast_in_dim3A_73 {add = true} : memref<512xf32, #tpu.memory_space<vmem>>[vector<16xi32>], vector<16xf32>,
      %add3A_303 = arith.addi %sub3A_102, %add3A_268 : i32
      %get3A_304 = arith.index_cast %add3A_303 : i32 to index
      %get3A_305 = arith.constant 80 : index
      %get3A_306 = tpu.vector_load %arg11[%get3A_304, %get3A_305] {strides = array<i32>} : memref<32x128xi32, #tpu.memory_space<vmem>>, vector<16xi32>,
      tpu.vector_store_idx %arg13[%get3A_306], %broadcast_in_dim3A_73 {add = true} : memref<512xf32, #tpu.memory_space<vmem>>[vector<16xi32>], vector<16xf32>,
      %add3A_307 = arith.addi %sub3A_102, %add3A_268 : i32
      %get3A_308 = arith.index_cast %add3A_307 : i32 to index
      %get3A_309 = arith.constant 96 : index
      %get3A_310 = tpu.vector_load %arg11[%get3A_308, %get3A_309] {strides = array<i32>} : memref<32x128xi32, #tpu.memory_space<vmem>>, vector<16xi32>,
      tpu.vector_store_idx %arg13[%get3A_310], %broadcast_in_dim3A_73 {add = true} : memref<512xf32, #tpu.memory_space<vmem>>[vector<16xi32>], vector<16xf32>,
      %add3A_311 = arith.addi %sub3A_102, %add3A_268 : i32
      %get3A_312 = arith.index_cast %add3A_311 : i32 to index
      %get3A_313 = arith.constant 112 : index
      %get3A_314 = tpu.vector_load %arg11[%get3A_312, %get3A_313] {strides = array<i32>} : memref<32x128xi32, #tpu.memory_space<vmem>>, vector<16xi32>,
      tpu.vector_store_idx %arg13[%get3A_314], %broadcast_in_dim3A_73 {add = true} : memref<512xf32, #tpu.memory_space<vmem>>[vector<16xi32>], vector<16xf32>,
      %ge3A_315 = arith.constant 2 : i32
      %ge3A_316 = arith.cmpi sge, %add3A_268, %ge3A_315 : i32
      %convert_element_type3A_317 = arith.extui %ge3A_316 : i1 to i32
      %cond3A_318 = arith.constant 0 : i32
      %cond3A_319 = arith.cmpi ne, %convert_element_type3A_317, %cond3A_318 : i32
      scf.if %cond3A_319 {
        %sub3A_387 = arith.constant 2 : i32
        %sub3A_388 = arith.subi %add3A_268, %sub3A_387 : i32
        %add3A_389 = arith.addi %sub3A_102, %sub3A_388 : i32
        %dma_wait3A_390 = arith.constant 0 : i32
        %dma_wait3A_391 = tpu.memref_slice %arg11[%add3A_389, %dma_wait3A_390] : memref<32x128xi32, #tpu.memory_space<vmem>> -> memref<1x128xi32, #tpu.memory_space<vmem>>
        %dma_wait3A_392 = tpu.memref_squeeze %dma_wait3A_391 : memref<1x128xi32, #tpu.memory_space<vmem>> -> memref<128xi32, #tpu.memory_space<vmem>>
        %dma_wait3A_393 = arith.constant 0 : i32
        %dma_wait3A_394 = arith.constant 0 : i32
        %dma_wait3A_395 = tpu.memref_slice %arg14[%dma_wait3A_393, %dma_wait3A_394] : memref<512x128xf32, #tpu.memory_space<vmem_shared>> -> memref<512x128xf32, #tpu.memory_space<vmem_shared>>
        tpu.wait_indirect_dma semaphore(%arg19 : memref<!tpu.dma_semaphore, #tpu.memory_space<semaphore_mem>>) src(%arg7 : memref<128x128xf32, #tpu.memory_space<vmem>>) dst(%dma_wait3A_395 : memref<512x128xf32, #tpu.memory_space<vmem_shared>>)
      } else {
      }
      %add3A_320 = arith.constant 2 : i32
      %add3A_321 = arith.addi %add3A_268, %add3A_320 : i32
      %lt3A_322 = arith.cmpi slt, %add3A_321, %add3A_81 : i32
      %convert_element_type3A_323 = arith.extui %lt3A_322 : i1 to i32
      %cond3A_324 = arith.constant 0 : i32
      %cond3A_325 = arith.cmpi ne, %convert_element_type3A_323, %cond3A_324 : i32
      scf.if %cond3A_325 {
        %add3A_387 = arith.constant 2 : i32
        %add3A_388 = arith.addi %add3A_268, %add3A_387 : i32
        %add3A_389 = arith.addi %add3A_77, %add3A_388 : i32
        %mul3A_390 = arith.constant 128 : i32
        %mul3A_391 = arith.muli %add3A_389, %mul3A_390 : i32
        %dma_start3A_392 = arith.constant 0 : i32
        %dma_start3A_393 = tpu.memref_slice %arg2[%mul3A_391, %dma_start3A_392] : memref<100000x128xf32, #tpu.memory_space<hbm>> -> memref<128x128xf32, #tpu.memory_space<hbm>>
        %dma_start3A_394 = arith.constant 0 : i32
        %dma_start3A_395 = tpu.memref_slice %arg2[%mul3A_391, %dma_start3A_394] : memref<100000x128xf32, #tpu.memory_space<hbm>> -> memref<128x128xf32, #tpu.memory_space<hbm>>
        tpu.enqueue_dma source(%dma_start3A_395 : memref<128x128xf32, #tpu.memory_space<hbm>>) target(%arg7 : memref<128x128xf32, #tpu.memory_space<vmem>>) target_semaphore(%arg15 : memref<!tpu.dma_semaphore, #tpu.memory_space<semaphore_mem>>)
      } else {
      }
      %mul3A_326 = arith.constant 4 : i32
      %mul3A_327 = arith.muli %mul3A_326, %scan3A_145 : i32
      %add3A_328 = arith.constant 3 : i32
      %add3A_329 = arith.addi %mul3A_327, %add3A_328 : i32
      %add3A_330 = arith.addi %add3A_77, %add3A_329 : i32
      %mul3A_331 = arith.constant 128 : i32
      %mul3A_332 = arith.muli %add3A_330, %mul3A_331 : i32
      %dma_wait3A_333 = arith.constant 0 : i32
      %dma_wait3A_334 = tpu.memref_slice %arg2[%mul3A_332, %dma_wait3A_333] : memref<100000x128xf32, #tpu.memory_space<hbm>> -> memref<128x128xf32, #tpu.memory_space<hbm>>
      %dma_wait3A_335 = arith.constant 0 : i32
      %dma_wait3A_336 = tpu.memref_slice %arg2[%mul3A_332, %dma_wait3A_335] : memref<100000x128xf32, #tpu.memory_space<hbm>> -> memref<128x128xf32, #tpu.memory_space<hbm>>
      tpu.wait_dma2 semaphore(%arg18 : memref<!tpu.dma_semaphore, #tpu.memory_space<semaphore_mem>>) src(%dma_wait3A_336 : memref<128x128xf32, #tpu.memory_space<hbm>>) dst(%arg10 : memref<128x128xf32, #tpu.memory_space<vmem>>)
      %add3A_337 = arith.addi %sub3A_102, %add3A_329 : i32
      %dma_start3A_338 = arith.constant 0 : i32
      %dma_start3A_339 = tpu.memref_slice %arg11[%add3A_337, %dma_start3A_338] : memref<32x128xi32, #tpu.memory_space<vmem>> -> memref<1x128xi32, #tpu.memory_space<vmem>>
      %dma_start3A_340 = tpu.memref_squeeze %dma_start3A_339 : memref<1x128xi32, #tpu.memory_space<vmem>> -> memref<128xi32, #tpu.memory_space<vmem>>
      %dma_start3A_341 = arith.constant 0 : i32
      %dma_start3A_342 = arith.constant 0 : i32
      %dma_start3A_343 = tpu.memref_slice %arg14[%dma_start3A_341, %dma_start3A_342] : memref<512x128xf32, #tpu.memory_space<vmem_shared>> -> memref<512x128xf32, #tpu.memory_space<vmem_shared>>
      tpu.enqueue_indirect_dma source(%arg10 : memref<128x128xf32, #tpu.memory_space<vmem>>) target(%dma_start3A_343 : memref<512x128xf32, #tpu.memory_space<vmem_shared>>) offsets(%dma_start3A_340 : memref<128xi32, #tpu.memory_space<vmem>>) semaphore(%arg22 : memref<!tpu.dma_semaphore, #tpu.memory_space<semaphore_mem>>) {add = true}
      %add3A_344 = arith.addi %sub3A_102, %add3A_329 : i32
      %get3A_345 = arith.index_cast %add3A_344 : i32 to index
      %get3A_346 = arith.constant 0 : index
      %get3A_347 = tpu.vector_load %arg11[%get3A_345, %get3A_346] {strides = array<i32>} : memref<32x128xi32, #tpu.memory_space<vmem>>, vector<16xi32>,
      tpu.vector_store_idx %arg13[%get3A_347], %broadcast_in_dim3A_73 {add = true} : memref<512xf32, #tpu.memory_space<vmem>>[vector<16xi32>], vector<16xf32>,
      %add3A_348 = arith.addi %sub3A_102, %add3A_329 : i32
      %get3A_349 = arith.index_cast %add3A_348 : i32 to index
      %get3A_350 = arith.constant 16 : index
      %get3A_351 = tpu.vector_load %arg11[%get3A_349, %get3A_350] {strides = array<i32>} : memref<32x128xi32, #tpu.memory_space<vmem>>, vector<16xi32>,
      tpu.vector_store_idx %arg13[%get3A_351], %broadcast_in_dim3A_73 {add = true} : memref<512xf32, #tpu.memory_space<vmem>>[vector<16xi32>], vector<16xf32>,
      %add3A_352 = arith.addi %sub3A_102, %add3A_329 : i32
      %get3A_353 = arith.index_cast %add3A_352 : i32 to index
      %get3A_354 = arith.constant 32 : index
      %get3A_355 = tpu.vector_load %arg11[%get3A_353, %get3A_354] {strides = array<i32>} : memref<32x128xi32, #tpu.memory_space<vmem>>, vector<16xi32>,
      tpu.vector_store_idx %arg13[%get3A_355], %broadcast_in_dim3A_73 {add = true} : memref<512xf32, #tpu.memory_space<vmem>>[vector<16xi32>], vector<16xf32>,
      %add3A_356 = arith.addi %sub3A_102, %add3A_329 : i32
      %get3A_357 = arith.index_cast %add3A_356 : i32 to index
      %get3A_358 = arith.constant 48 : index
      %get3A_359 = tpu.vector_load %arg11[%get3A_357, %get3A_358] {strides = array<i32>} : memref<32x128xi32, #tpu.memory_space<vmem>>, vector<16xi32>,
      tpu.vector_store_idx %arg13[%get3A_359], %broadcast_in_dim3A_73 {add = true} : memref<512xf32, #tpu.memory_space<vmem>>[vector<16xi32>], vector<16xf32>,
      %add3A_360 = arith.addi %sub3A_102, %add3A_329 : i32
      %get3A_361 = arith.index_cast %add3A_360 : i32 to index
      %get3A_362 = arith.constant 64 : index
      %get3A_363 = tpu.vector_load %arg11[%get3A_361, %get3A_362] {strides = array<i32>} : memref<32x128xi32, #tpu.memory_space<vmem>>, vector<16xi32>,
      tpu.vector_store_idx %arg13[%get3A_363], %broadcast_in_dim3A_73 {add = true} : memref<512xf32, #tpu.memory_space<vmem>>[vector<16xi32>], vector<16xf32>,
      %add3A_364 = arith.addi %sub3A_102, %add3A_329 : i32
      %get3A_365 = arith.index_cast %add3A_364 : i32 to index
      %get3A_366 = arith.constant 80 : index
      %get3A_367 = tpu.vector_load %arg11[%get3A_365, %get3A_366] {strides = array<i32>} : memref<32x128xi32, #tpu.memory_space<vmem>>, vector<16xi32>,
      tpu.vector_store_idx %arg13[%get3A_367], %broadcast_in_dim3A_73 {add = true} : memref<512xf32, #tpu.memory_space<vmem>>[vector<16xi32>], vector<16xf32>,
      %add3A_368 = arith.addi %sub3A_102, %add3A_329 : i32
      %get3A_369 = arith.index_cast %add3A_368 : i32 to index
      %get3A_370 = arith.constant 96 : index
      %get3A_371 = tpu.vector_load %arg11[%get3A_369, %get3A_370] {strides = array<i32>} : memref<32x128xi32, #tpu.memory_space<vmem>>, vector<16xi32>,
      tpu.vector_store_idx %arg13[%get3A_371], %broadcast_in_dim3A_73 {add = true} : memref<512xf32, #tpu.memory_space<vmem>>[vector<16xi32>], vector<16xf32>,
      %add3A_372 = arith.addi %sub3A_102, %add3A_329 : i32
      %get3A_373 = arith.index_cast %add3A_372 : i32 to index
      %get3A_374 = arith.constant 112 : index
      %get3A_375 = tpu.vector_load %arg11[%get3A_373, %get3A_374] {strides = array<i32>} : memref<32x128xi32, #tpu.memory_space<vmem>>, vector<16xi32>,
      tpu.vector_store_idx %arg13[%get3A_375], %broadcast_in_dim3A_73 {add = true} : memref<512xf32, #tpu.memory_space<vmem>>[vector<16xi32>], vector<16xf32>,
      %ge3A_376 = arith.constant 2 : i32
      %ge3A_377 = arith.cmpi sge, %add3A_329, %ge3A_376 : i32
      %convert_element_type3A_378 = arith.extui %ge3A_377 : i1 to i32
      %cond3A_379 = arith.constant 0 : i32
      %cond3A_380 = arith.cmpi ne, %convert_element_type3A_378, %cond3A_379 : i32
      scf.if %cond3A_380 {
        %sub3A_387 = arith.constant 2 : i32
        %sub3A_388 = arith.subi %add3A_329, %sub3A_387 : i32
        %add3A_389 = arith.addi %sub3A_102, %sub3A_388 : i32
        %dma_wait3A_390 = arith.constant 0 : i32
        %dma_wait3A_391 = tpu.memref_slice %arg11[%add3A_389, %dma_wait3A_390] : memref<32x128xi32, #tpu.memory_space<vmem>> -> memref<1x128xi32, #tpu.memory_space<vmem>>
        %dma_wait3A_392 = tpu.memref_squeeze %dma_wait3A_391 : memref<1x128xi32, #tpu.memory_space<vmem>> -> memref<128xi32, #tpu.memory_space<vmem>>
        %dma_wait3A_393 = arith.constant 0 : i32
        %dma_wait3A_394 = arith.constant 0 : i32
        %dma_wait3A_395 = tpu.memref_slice %arg14[%dma_wait3A_393, %dma_wait3A_394] : memref<512x128xf32, #tpu.memory_space<vmem_shared>> -> memref<512x128xf32, #tpu.memory_space<vmem_shared>>
        tpu.wait_indirect_dma semaphore(%arg20 : memref<!tpu.dma_semaphore, #tpu.memory_space<semaphore_mem>>) src(%arg8 : memref<128x128xf32, #tpu.memory_space<vmem>>) dst(%dma_wait3A_395 : memref<512x128xf32, #tpu.memory_space<vmem_shared>>)
      } else {
      }
      %add3A_381 = arith.constant 2 : i32
      %add3A_382 = arith.addi %add3A_329, %add3A_381 : i32
      %lt3A_383 = arith.cmpi slt, %add3A_382, %add3A_81 : i32
      %convert_element_type3A_384 = arith.extui %lt3A_383 : i1 to i32
      %cond3A_385 = arith.constant 0 : i32
      %cond3A_386 = arith.cmpi ne, %convert_element_type3A_384, %cond3A_385 : i32
      scf.if %cond3A_386 {
        %add3A_387 = arith.constant 2 : i32
        %add3A_388 = arith.addi %add3A_329, %add3A_387 : i32
        %add3A_389 = arith.addi %add3A_77, %add3A_388 : i32
        %mul3A_390 = arith.constant 128 : i32
        %mul3A_391 = arith.muli %add3A_389, %mul3A_390 : i32
        %dma_start3A_392 = arith.constant 0 : i32
        %dma_start3A_393 = tpu.memref_slice %arg2[%mul3A_391, %dma_start3A_392] : memref<100000x128xf32, #tpu.memory_space<hbm>> -> memref<128x128xf32, #tpu.memory_space<hbm>>
        %dma_start3A_394 = arith.constant 0 : i32
        %dma_start3A_395 = tpu.memref_slice %arg2[%mul3A_391, %dma_start3A_394] : memref<100000x128xf32, #tpu.memory_space<hbm>> -> memref<128x128xf32, #tpu.memory_space<hbm>>
        tpu.enqueue_dma source(%dma_start3A_395 : memref<128x128xf32, #tpu.memory_space<hbm>>) target(%arg8 : memref<128x128xf32, #tpu.memory_space<vmem>>) target_semaphore(%arg16 : memref<!tpu.dma_semaphore, #tpu.memory_space<semaphore_mem>>)
      } else {
      }
    }
    %scan3A_123 = arith.constant 6 : i32
    %gt3A = arith.constant 24 : i32
    %gt3A_124 = arith.cmpi sgt, %add3A_81, %gt3A : i32
    %convert_element_type3A = arith.extui %gt3A_124 : i1 to i32
    %cond3A = arith.constant 0 : i32
    %cond3A_125 = arith.cmpi ne, %convert_element_type3A, %cond3A : i32
    scf.if %cond3A_125 {
      %add3A_145 = arith.constant 24 : i32
      %add3A_146 = arith.addi %add3A_77, %add3A_145 : i32
      %mul3A_147 = arith.constant 128 : i32
      %mul3A_148 = arith.muli %add3A_146, %mul3A_147 : i32
      %dma_wait3A = arith.constant 0 : i32
      %dma_wait3A_149 = tpu.memref_slice %arg2[%mul3A_148, %dma_wait3A] : memref<100000x128xf32, #tpu.memory_space<hbm>> -> memref<128x128xf32, #tpu.memory_space<hbm>>
      %dma_wait3A_150 = arith.constant 0 : i32
      %dma_wait3A_151 = tpu.memref_slice %arg2[%mul3A_148, %dma_wait3A_150] : memref<100000x128xf32, #tpu.memory_space<hbm>> -> memref<128x128xf32, #tpu.memory_space<hbm>>
      tpu.wait_dma2 semaphore(%arg15 : memref<!tpu.dma_semaphore, #tpu.memory_space<semaphore_mem>>) src(%dma_wait3A_151 : memref<128x128xf32, #tpu.memory_space<hbm>>) dst(%arg7 : memref<128x128xf32, #tpu.memory_space<vmem>>)
      %add3A_152 = arith.constant 24 : i32
      %add3A_153 = arith.addi %sub3A_102, %add3A_152 : i32
      %dma_start3A_154 = arith.constant 0 : i32
      %dma_start3A_155 = tpu.memref_slice %arg11[%add3A_153, %dma_start3A_154] : memref<32x128xi32, #tpu.memory_space<vmem>> -> memref<1x128xi32, #tpu.memory_space<vmem>>
      %dma_start3A_156 = tpu.memref_squeeze %dma_start3A_155 : memref<1x128xi32, #tpu.memory_space<vmem>> -> memref<128xi32, #tpu.memory_space<vmem>>
      %dma_start3A_157 = arith.constant 0 : i32
      %dma_start3A_158 = arith.constant 0 : i32
      %dma_start3A_159 = tpu.memref_slice %arg14[%dma_start3A_157, %dma_start3A_158] : memref<512x128xf32, #tpu.memory_space<vmem_shared>> -> memref<512x128xf32, #tpu.memory_space<vmem_shared>>
      tpu.enqueue_indirect_dma source(%arg7 : memref<128x128xf32, #tpu.memory_space<vmem>>) target(%dma_start3A_159 : memref<512x128xf32, #tpu.memory_space<vmem_shared>>) offsets(%dma_start3A_156 : memref<128xi32, #tpu.memory_space<vmem>>) semaphore(%arg19 : memref<!tpu.dma_semaphore, #tpu.memory_space<semaphore_mem>>) {add = true}
      %add3A_160 = arith.constant 24 : i32
      %add3A_161 = arith.addi %sub3A_102, %add3A_160 : i32
      %get3A = arith.index_cast %add3A_161 : i32 to index
      %get3A_162 = arith.constant 0 : index
      %get3A_163 = tpu.vector_load %arg11[%get3A, %get3A_162] {strides = array<i32>} : memref<32x128xi32, #tpu.memory_space<vmem>>, vector<16xi32>,
      tpu.vector_store_idx %arg13[%get3A_163], %broadcast_in_dim3A_73 {add = true} : memref<512xf32, #tpu.memory_space<vmem>>[vector<16xi32>], vector<16xf32>,
      %add3A_164 = arith.constant 24 : i32
      %add3A_165 = arith.addi %sub3A_102, %add3A_164 : i32
      %get3A_166 = arith.index_cast %add3A_165 : i32 to index
      %get3A_167 = arith.constant 16 : index
      %get3A_168 = tpu.vector_load %arg11[%get3A_166, %get3A_167] {strides = array<i32>} : memref<32x128xi32, #tpu.memory_space<vmem>>, vector<16xi32>,
      tpu.vector_store_idx %arg13[%get3A_168], %broadcast_in_dim3A_73 {add = true} : memref<512xf32, #tpu.memory_space<vmem>>[vector<16xi32>], vector<16xf32>,
      %add3A_169 = arith.constant 24 : i32
      %add3A_170 = arith.addi %sub3A_102, %add3A_169 : i32
      %get3A_171 = arith.index_cast %add3A_170 : i32 to index
      %get3A_172 = arith.constant 32 : index
      %get3A_173 = tpu.vector_load %arg11[%get3A_171, %get3A_172] {strides = array<i32>} : memref<32x128xi32, #tpu.memory_space<vmem>>, vector<16xi32>,
      tpu.vector_store_idx %arg13[%get3A_173], %broadcast_in_dim3A_73 {add = true} : memref<512xf32, #tpu.memory_space<vmem>>[vector<16xi32>], vector<16xf32>,
      %add3A_174 = arith.constant 24 : i32
      %add3A_175 = arith.addi %sub3A_102, %add3A_174 : i32
      %get3A_176 = arith.index_cast %add3A_175 : i32 to index
      %get3A_177 = arith.constant 48 : index
      %get3A_178 = tpu.vector_load %arg11[%get3A_176, %get3A_177] {strides = array<i32>} : memref<32x128xi32, #tpu.memory_space<vmem>>, vector<16xi32>,
      tpu.vector_store_idx %arg13[%get3A_178], %broadcast_in_dim3A_73 {add = true} : memref<512xf32, #tpu.memory_space<vmem>>[vector<16xi32>], vector<16xf32>,
      %add3A_179 = arith.constant 24 : i32
      %add3A_180 = arith.addi %sub3A_102, %add3A_179 : i32
      %get3A_181 = arith.index_cast %add3A_180 : i32 to index
      %get3A_182 = arith.constant 64 : index
      %get3A_183 = tpu.vector_load %arg11[%get3A_181, %get3A_182] {strides = array<i32>} : memref<32x128xi32, #tpu.memory_space<vmem>>, vector<16xi32>,
      tpu.vector_store_idx %arg13[%get3A_183], %broadcast_in_dim3A_73 {add = true} : memref<512xf32, #tpu.memory_space<vmem>>[vector<16xi32>], vector<16xf32>,
      %add3A_184 = arith.constant 24 : i32
      %add3A_185 = arith.addi %sub3A_102, %add3A_184 : i32
      %get3A_186 = arith.index_cast %add3A_185 : i32 to index
      %get3A_187 = arith.constant 80 : index
      %get3A_188 = tpu.vector_load %arg11[%get3A_186, %get3A_187] {strides = array<i32>} : memref<32x128xi32, #tpu.memory_space<vmem>>, vector<16xi32>,
      tpu.vector_store_idx %arg13[%get3A_188], %broadcast_in_dim3A_73 {add = true} : memref<512xf32, #tpu.memory_space<vmem>>[vector<16xi32>], vector<16xf32>,
      %add3A_189 = arith.constant 24 : i32
      %add3A_190 = arith.addi %sub3A_102, %add3A_189 : i32
      %get3A_191 = arith.index_cast %add3A_190 : i32 to index
      %get3A_192 = arith.constant 96 : index
      %get3A_193 = tpu.vector_load %arg11[%get3A_191, %get3A_192] {strides = array<i32>} : memref<32x128xi32, #tpu.memory_space<vmem>>, vector<16xi32>,
      tpu.vector_store_idx %arg13[%get3A_193], %broadcast_in_dim3A_73 {add = true} : memref<512xf32, #tpu.memory_space<vmem>>[vector<16xi32>], vector<16xf32>,
      %add3A_194 = arith.constant 24 : i32
      %add3A_195 = arith.addi %sub3A_102, %add3A_194 : i32
      %get3A_196 = arith.index_cast %add3A_195 : i32 to index
      %get3A_197 = arith.constant 112 : index
      %get3A_198 = tpu.vector_load %arg11[%get3A_196, %get3A_197] {strides = array<i32>} : memref<32x128xi32, #tpu.memory_space<vmem>>, vector<16xi32>,
      tpu.vector_store_idx %arg13[%get3A_198], %broadcast_in_dim3A_73 {add = true} : memref<512xf32, #tpu.memory_space<vmem>>[vector<16xi32>], vector<16xf32>,
      %add3A_199 = arith.constant 22 : i32
      %add3A_200 = arith.addi %sub3A_102, %add3A_199 : i32
      %dma_wait3A_201 = arith.constant 0 : i32
      %dma_wait3A_202 = tpu.memref_slice %arg11[%add3A_200, %dma_wait3A_201] : memref<32x128xi32, #tpu.memory_space<vmem>> -> memref<1x128xi32, #tpu.memory_space<vmem>>
      %dma_wait3A_203 = tpu.memref_squeeze %dma_wait3A_202 : memref<1x128xi32, #tpu.memory_space<vmem>> -> memref<128xi32, #tpu.memory_space<vmem>>
      %dma_wait3A_204 = arith.constant 0 : i32
      %dma_wait3A_205 = arith.constant 0 : i32
      %dma_wait3A_206 = tpu.memref_slice %arg14[%dma_wait3A_204, %dma_wait3A_205] : memref<512x128xf32, #tpu.memory_space<vmem_shared>> -> memref<512x128xf32, #tpu.memory_space<vmem_shared>>
      tpu.wait_indirect_dma semaphore(%arg21 : memref<!tpu.dma_semaphore, #tpu.memory_space<semaphore_mem>>) src(%arg9 : memref<128x128xf32, #tpu.memory_space<vmem>>) dst(%dma_wait3A_206 : memref<512x128xf32, #tpu.memory_space<vmem_shared>>)
      %gt3A_207 = arith.constant 26 : i32
      %gt3A_208 = arith.cmpi sgt, %add3A_81, %gt3A_207 : i32
      %convert_element_type3A_209 = arith.extui %gt3A_208 : i1 to i32
      %cond3A_210 = arith.constant 0 : i32
      %cond3A_211 = arith.cmpi ne, %convert_element_type3A_209, %cond3A_210 : i32
      scf.if %cond3A_211 {
        %add3A_212 = arith.constant 26 : i32
        %add3A_213 = arith.addi %add3A_77, %add3A_212 : i32
        %mul3A_214 = arith.constant 128 : i32
        %mul3A_215 = arith.muli %add3A_213, %mul3A_214 : i32
        %dma_start3A_216 = arith.constant 0 : i32
        %dma_start3A_217 = tpu.memref_slice %arg2[%mul3A_215, %dma_start3A_216] : memref<100000x128xf32, #tpu.memory_space<hbm>> -> memref<128x128xf32, #tpu.memory_space<hbm>>
        %dma_start3A_218 = arith.constant 0 : i32
        %dma_start3A_219 = tpu.memref_slice %arg2[%mul3A_215, %dma_start3A_218] : memref<100000x128xf32, #tpu.memory_space<hbm>> -> memref<128x128xf32, #tpu.memory_space<hbm>>
        tpu.enqueue_dma source(%dma_start3A_219 : memref<128x128xf32, #tpu.memory_space<hbm>>) target(%arg9 : memref<128x128xf32, #tpu.memory_space<vmem>>) target_semaphore(%arg17 : memref<!tpu.dma_semaphore, #tpu.memory_space<semaphore_mem>>)
      } else {
      }
    } else {
    }
    %eq3A = arith.constant 24 : i32
    %eq3A_126 = arith.cmpi eq, %add3A_81, %eq3A : i32
    %convert_element_type3A_127 = arith.extui %eq3A_126 : i1 to i32
    %cond3A_128 = arith.constant 0 : i32
    %cond3A_129 = arith.cmpi ne, %convert_element_type3A_127, %cond3A_128 : i32
    scf.if %cond3A_129 {
      %add3A_145 = arith.constant 22 : i32
      %add3A_146 = arith.addi %sub3A_102, %add3A_145 : i32
      %dma_wait3A = arith.constant 0 : i32
      %dma_wait3A_147 = tpu.memref_slice %arg11[%add3A_146, %dma_wait3A] : memref<32x128xi32, #tpu.memory_space<vmem>> -> memref<1x128xi32, #tpu.memory_space<vmem>>
      %dma_wait3A_148 = tpu.memref_squeeze %dma_wait3A_147 : memref<1x128xi32, #tpu.memory_space<vmem>> -> memref<128xi32, #tpu.memory_space<vmem>>
      %dma_wait3A_149 = arith.constant 0 : i32
      %dma_wait3A_150 = arith.constant 0 : i32
      %dma_wait3A_151 = tpu.memref_slice %arg14[%dma_wait3A_149, %dma_wait3A_150] : memref<512x128xf32, #tpu.memory_space<vmem_shared>> -> memref<512x128xf32, #tpu.memory_space<vmem_shared>>
      tpu.wait_indirect_dma semaphore(%arg21 : memref<!tpu.dma_semaphore, #tpu.memory_space<semaphore_mem>>) src(%arg9 : memref<128x128xf32, #tpu.memory_space<vmem>>) dst(%dma_wait3A_151 : memref<512x128xf32, #tpu.memory_space<vmem_shared>>)
      %add3A_152 = arith.constant 23 : i32
      %add3A_153 = arith.addi %sub3A_102, %add3A_152 : i32
      %dma_wait3A_154 = arith.constant 0 : i32
      %dma_wait3A_155 = tpu.memref_slice %arg11[%add3A_153, %dma_wait3A_154] : memref<32x128xi32, #tpu.memory_space<vmem>> -> memref<1x128xi32, #tpu.memory_space<vmem>>
      %dma_wait3A_156 = tpu.memref_squeeze %dma_wait3A_155 : memref<1x128xi32, #tpu.memory_space<vmem>> -> memref<128xi32, #tpu.memory_space<vmem>>
      %dma_wait3A_157 = arith.constant 0 : i32
      %dma_wait3A_158 = arith.constant 0 : i32
      %dma_wait3A_159 = tpu.memref_slice %arg14[%dma_wait3A_157, %dma_wait3A_158] : memref<512x128xf32, #tpu.memory_space<vmem_shared>> -> memref<512x128xf32, #tpu.memory_space<vmem_shared>>
      tpu.wait_indirect_dma semaphore(%arg22 : memref<!tpu.dma_semaphore, #tpu.memory_space<semaphore_mem>>) src(%arg10 : memref<128x128xf32, #tpu.memory_space<vmem>>) dst(%dma_wait3A_159 : memref<512x128xf32, #tpu.memory_space<vmem_shared>>)
    } else {
    }
    %gt3A_130 = arith.constant 24 : i32
    %gt3A_131 = arith.cmpi sgt, %add3A_81, %gt3A_130 : i32
    %convert_element_type3A_132 = arith.extui %gt3A_131 : i1 to i32
    %cond3A_133 = arith.constant 0 : i32
    %cond3A_134 = arith.cmpi ne, %convert_element_type3A_132, %cond3A_133 : i32
    scf.if %cond3A_134 {
      %add3A_145 = arith.constant 23 : i32
      %add3A_146 = arith.addi %sub3A_102, %add3A_145 : i32
      %dma_wait3A = arith.constant 0 : i32
      %dma_wait3A_147 = tpu.memref_slice %arg11[%add3A_146, %dma_wait3A] : memref<32x128xi32, #tpu.memory_space<vmem>> -> memref<1x128xi32, #tpu.memory_space<vmem>>
      %dma_wait3A_148 = tpu.memref_squeeze %dma_wait3A_147 : memref<1x128xi32, #tpu.memory_space<vmem>> -> memref<128xi32, #tpu.memory_space<vmem>>
      %dma_wait3A_149 = arith.constant 0 : i32
      %dma_wait3A_150 = arith.constant 0 : i32
      %dma_wait3A_151 = tpu.memref_slice %arg14[%dma_wait3A_149, %dma_wait3A_150] : memref<512x128xf32, #tpu.memory_space<vmem_shared>> -> memref<512x128xf32, #tpu.memory_space<vmem_shared>>
      tpu.wait_indirect_dma semaphore(%arg22 : memref<!tpu.dma_semaphore, #tpu.memory_space<semaphore_mem>>) src(%arg10 : memref<128x128xf32, #tpu.memory_space<vmem>>) dst(%dma_wait3A_151 : memref<512x128xf32, #tpu.memory_space<vmem_shared>>)
      %add3A_152 = arith.constant 24 : i32
      %add3A_153 = arith.addi %sub3A_102, %add3A_152 : i32
      %dma_wait3A_154 = arith.constant 0 : i32
      %dma_wait3A_155 = tpu.memref_slice %arg11[%add3A_153, %dma_wait3A_154] : memref<32x128xi32, #tpu.memory_space<vmem>> -> memref<1x128xi32, #tpu.memory_space<vmem>>
      %dma_wait3A_156 = tpu.memref_squeeze %dma_wait3A_155 : memref<1x128xi32, #tpu.memory_space<vmem>> -> memref<128xi32, #tpu.memory_space<vmem>>
      %dma_wait3A_157 = arith.constant 0 : i32
      %dma_wait3A_158 = arith.constant 0 : i32
      %dma_wait3A_159 = tpu.memref_slice %arg14[%dma_wait3A_157, %dma_wait3A_158] : memref<512x128xf32, #tpu.memory_space<vmem_shared>> -> memref<512x128xf32, #tpu.memory_space<vmem_shared>>
      tpu.wait_indirect_dma semaphore(%arg19 : memref<!tpu.dma_semaphore, #tpu.memory_space<semaphore_mem>>) src(%arg7 : memref<128x128xf32, #tpu.memory_space<vmem>>) dst(%dma_wait3A_159 : memref<512x128xf32, #tpu.memory_space<vmem_shared>>)
    } else {
    }
    %eq3A_135 = arith.constant 31 : i32
    %eq3A_136 = arith.cmpi eq, %add3A, %eq3A_135 : i32
    %convert_element_type3A_137 = arith.extui %eq3A_136 : i1 to i32
    %cond3A_138 = arith.constant 0 : i32
    %cond3A_139 = arith.cmpi ne, %convert_element_type3A_137, %cond3A_138 : i32
    scf.if %cond3A_139 {
      "tpu.region"() ({
        %run_scoped3A = tpu.sem_alloc : memref<!tpu.dma_semaphore, #tpu.memory_space<semaphore_mem>>
        %dma_start3A_148 = arith.constant 0 : i32
        %dma_start3A_149 = arith.constant 0 : i32
        %dma_start3A_150 = tpu.memref_slice %arg7[%dma_start3A_148, %dma_start3A_149] : memref<128x128xf32, #tpu.memory_space<vmem>> -> memref<32x128xf32, #tpu.memory_space<vmem>>
        %dma_start3A_151 = arith.constant 99968 : i32
        %dma_start3A_152 = arith.constant 0 : i32
        %dma_start3A_153 = tpu.memref_slice %arg2[%dma_start3A_151, %dma_start3A_152] : memref<100000x128xf32, #tpu.memory_space<hbm>> -> memref<32x128xf32, #tpu.memory_space<hbm>>
        %dma_start3A_154 = arith.constant 0 : i32
        %dma_start3A_155 = arith.constant 0 : i32
        %dma_start3A_156 = tpu.memref_slice %arg7[%dma_start3A_154, %dma_start3A_155] : memref<128x128xf32, #tpu.memory_space<vmem>> -> memref<32x128xf32, #tpu.memory_space<vmem>>
        %dma_start3A_157 = arith.constant 99968 : i32
        %dma_start3A_158 = arith.constant 0 : i32
        %dma_start3A_159 = tpu.memref_slice %arg2[%dma_start3A_157, %dma_start3A_158] : memref<100000x128xf32, #tpu.memory_space<hbm>> -> memref<32x128xf32, #tpu.memory_space<hbm>>
        tpu.enqueue_dma source(%dma_start3A_159 : memref<32x128xf32, #tpu.memory_space<hbm>>) target(%dma_start3A_156 : memref<32x128xf32, #tpu.memory_space<vmem>>) target_semaphore(%run_scoped3A : memref<!tpu.dma_semaphore, #tpu.memory_space<semaphore_mem>>)
        %dma_wait3A = arith.constant 0 : i32
        %dma_wait3A_160 = arith.constant 0 : i32
        %dma_wait3A_161 = tpu.memref_slice %arg7[%dma_wait3A, %dma_wait3A_160] : memref<128x128xf32, #tpu.memory_space<vmem>> -> memref<32x128xf32, #tpu.memory_space<vmem>>
        %dma_wait3A_162 = arith.constant 99968 : i32
        %dma_wait3A_163 = arith.constant 0 : i32
        %dma_wait3A_164 = tpu.memref_slice %arg2[%dma_wait3A_162, %dma_wait3A_163] : memref<100000x128xf32, #tpu.memory_space<hbm>> -> memref<32x128xf32, #tpu.memory_space<hbm>>
        %dma_wait3A_165 = arith.constant 0 : i32
        %dma_wait3A_166 = arith.constant 0 : i32
        %dma_wait3A_167 = tpu.memref_slice %arg7[%dma_wait3A_165, %dma_wait3A_166] : memref<128x128xf32, #tpu.memory_space<vmem>> -> memref<32x128xf32, #tpu.memory_space<vmem>>
        %dma_wait3A_168 = arith.constant 99968 : i32
        %dma_wait3A_169 = arith.constant 0 : i32
        %dma_wait3A_170 = tpu.memref_slice %arg2[%dma_wait3A_168, %dma_wait3A_169] : memref<100000x128xf32, #tpu.memory_space<hbm>> -> memref<32x128xf32, #tpu.memory_space<hbm>>
        tpu.wait_dma2 semaphore(%run_scoped3A : memref<!tpu.dma_semaphore, #tpu.memory_space<semaphore_mem>>) src(%dma_wait3A_170 : memref<32x128xf32, #tpu.memory_space<hbm>>) dst(%dma_wait3A_167 : memref<32x128xf32, #tpu.memory_space<vmem>>)
        tpu.yield
      }) : () -> ()
      "tpu.region"() ({
        %run_scoped3A = tpu.sem_alloc : memref<!tpu.dma_semaphore, #tpu.memory_space<semaphore_mem>>
        %dma_start3A_148 = arith.constant 99968 : i32
        %dma_start3A_149 = tpu.memref_slice %arg3[%dma_start3A_148] : memref<100000xi32, #tpu.memory_space<hbm>> -> memref<32xi32, #tpu.memory_space<hbm>>
        %dma_start3A_150 = arith.constant 99968 : i32
        %dma_start3A_151 = tpu.memref_slice %arg3[%dma_start3A_150] : memref<100000xi32, #tpu.memory_space<hbm>> -> memref<32xi32, #tpu.memory_space<hbm>>
        tpu.enqueue_dma source(%dma_start3A_151 : memref<32xi32, #tpu.memory_space<hbm>>) target(%arg12 : memref<32xi32, #tpu.memory_space<vmem>>) target_semaphore(%run_scoped3A : memref<!tpu.dma_semaphore, #tpu.memory_space<semaphore_mem>>)
        %dma_wait3A = arith.constant 99968 : i32
        %dma_wait3A_152 = tpu.memref_slice %arg3[%dma_wait3A] : memref<100000xi32, #tpu.memory_space<hbm>> -> memref<32xi32, #tpu.memory_space<hbm>>
        %dma_wait3A_153 = arith.constant 99968 : i32
        %dma_wait3A_154 = tpu.memref_slice %arg3[%dma_wait3A_153] : memref<100000xi32, #tpu.memory_space<hbm>> -> memref<32xi32, #tpu.memory_space<hbm>>
        tpu.wait_dma2 semaphore(%run_scoped3A : memref<!tpu.dma_semaphore, #tpu.memory_space<semaphore_mem>>) src(%dma_wait3A_154 : memref<32xi32, #tpu.memory_space<hbm>>) dst(%arg12 : memref<32xi32, #tpu.memory_space<vmem>>)
        tpu.yield
      }) : () -> ()
      "tpu.region"() ({
        %run_scoped3A = tpu.sem_alloc : memref<!tpu.dma_semaphore, #tpu.memory_space<semaphore_mem>>
        %dma_start3A_148 = arith.constant 0 : i32
        %dma_start3A_149 = arith.constant 0 : i32
        %dma_start3A_150 = tpu.memref_slice %arg7[%dma_start3A_148, %dma_start3A_149] : memref<128x128xf32, #tpu.memory_space<vmem>> -> memref<32x128xf32, #tpu.memory_space<vmem>>
        %dma_start3A_151 = arith.constant 0 : i32
        %dma_start3A_152 = arith.constant 0 : i32
        %dma_start3A_153 = tpu.memref_slice %arg14[%dma_start3A_151, %dma_start3A_152] : memref<512x128xf32, #tpu.memory_space<vmem_shared>> -> memref<512x128xf32, #tpu.memory_space<vmem_shared>>
        tpu.enqueue_indirect_dma source(%dma_start3A_150 : memref<32x128xf32, #tpu.memory_space<vmem>>) target(%dma_start3A_153 : memref<512x128xf32, #tpu.memory_space<vmem_shared>>) offsets(%arg12 : memref<32xi32, #tpu.memory_space<vmem>>) semaphore(%run_scoped3A : memref<!tpu.dma_semaphore, #tpu.memory_space<semaphore_mem>>) {add = true}
        %dma_wait3A = arith.constant 0 : i32
        %dma_wait3A_154 = arith.constant 0 : i32
        %dma_wait3A_155 = tpu.memref_slice %arg7[%dma_wait3A, %dma_wait3A_154] : memref<128x128xf32, #tpu.memory_space<vmem>> -> memref<32x128xf32, #tpu.memory_space<vmem>>
        %dma_wait3A_156 = arith.constant 0 : i32
        %dma_wait3A_157 = arith.constant 0 : i32
        %dma_wait3A_158 = tpu.memref_slice %arg14[%dma_wait3A_156, %dma_wait3A_157] : memref<512x128xf32, #tpu.memory_space<vmem_shared>> -> memref<512x128xf32, #tpu.memory_space<vmem_shared>>
        tpu.wait_indirect_dma semaphore(%run_scoped3A : memref<!tpu.dma_semaphore, #tpu.memory_space<semaphore_mem>>) src(%dma_wait3A_155 : memref<32x128xf32, #tpu.memory_space<vmem>>) dst(%dma_wait3A_158 : memref<512x128xf32, #tpu.memory_space<vmem_shared>>)
        tpu.yield
      }) : () -> ()
      %get3A = arith.constant 0 : index
      %get3A_145 = tpu.vector_load %arg12[%get3A] {strides = array<i32>} : memref<32xi32, #tpu.memory_space<vmem>>, vector<16xi32>,
      tpu.vector_store_idx %arg13[%get3A_145], %broadcast_in_dim3A_73 {add = true} : memref<512xf32, #tpu.memory_space<vmem>>[vector<16xi32>], vector<16xf32>,
      %get3A_146 = arith.constant 16 : index
      %get3A_147 = tpu.vector_load %arg12[%get3A_146] {strides = array<i32>} : memref<32xi32, #tpu.memory_space<vmem>>, vector<16xi32>,
      tpu.vector_store_idx %arg13[%get3A_147], %broadcast_in_dim3A_73 {add = true} : memref<512xf32, #tpu.memory_space<vmem>>[vector<16xi32>], vector<16xf32>,
    } else {
    }
    %barrier3A_140 = arith.constant 0 : index
    tpu.barrier barrier_id(%barrier3A_140)
    %mul3A_141 = arith.constant 32 : i32
    %mul3A_142 = arith.muli %arg1, %mul3A_141 : i32
    "tpu.region"() ({
      %run_scoped3A = tpu.sem_alloc : memref<!tpu.dma_semaphore, #tpu.memory_space<semaphore_mem>>
      %dma_start3A_145 = arith.constant 0 : i32
      %dma_start3A_146 = arith.constant 0 : i32
      %dma_start3A_147 = tpu.memref_slice %arg7[%dma_start3A_145, %dma_start3A_146] : memref<128x128xf32, #tpu.memory_space<vmem>> -> memref<32x128xf32, #tpu.memory_space<vmem>>
      %dma_start3A_148 = arith.constant 0 : i32
      %dma_start3A_149 = tpu.memref_slice %arg14[%mul3A_142, %dma_start3A_148] : memref<512x128xf32, #tpu.memory_space<vmem_shared>> -> memref<32x128xf32, #tpu.memory_space<vmem_shared>>
      %dma_start3A_150 = arith.constant 0 : i32
      %dma_start3A_151 = arith.constant 0 : i32
      %dma_start3A_152 = tpu.memref_slice %arg7[%dma_start3A_150, %dma_start3A_151] : memref<128x128xf32, #tpu.memory_space<vmem>> -> memref<32x128xf32, #tpu.memory_space<vmem>>
      %dma_start3A_153 = arith.constant 0 : i32
      %dma_start3A_154 = tpu.memref_slice %arg14[%mul3A_142, %dma_start3A_153] : memref<512x128xf32, #tpu.memory_space<vmem_shared>> -> memref<32x128xf32, #tpu.memory_space<vmem_shared>>
      tpu.enqueue_dma source(%dma_start3A_154 : memref<32x128xf32, #tpu.memory_space<vmem_shared>>) target(%dma_start3A_152 : memref<32x128xf32, #tpu.memory_space<vmem>>) target_semaphore(%run_scoped3A : memref<!tpu.dma_semaphore, #tpu.memory_space<semaphore_mem>>)
      %dma_wait3A = arith.constant 0 : i32
      %dma_wait3A_155 = arith.constant 0 : i32
      %dma_wait3A_156 = tpu.memref_slice %arg7[%dma_wait3A, %dma_wait3A_155] : memref<128x128xf32, #tpu.memory_space<vmem>> -> memref<32x128xf32, #tpu.memory_space<vmem>>
      %dma_wait3A_157 = arith.constant 0 : i32
      %dma_wait3A_158 = tpu.memref_slice %arg14[%mul3A_142, %dma_wait3A_157] : memref<512x128xf32, #tpu.memory_space<vmem_shared>> -> memref<32x128xf32, #tpu.memory_space<vmem_shared>>
      %dma_wait3A_159 = arith.constant 0 : i32
      %dma_wait3A_160 = arith.constant 0 : i32
      %dma_wait3A_161 = tpu.memref_slice %arg7[%dma_wait3A_159, %dma_wait3A_160] : memref<128x128xf32, #tpu.memory_space<vmem>> -> memref<32x128xf32, #tpu.memory_space<vmem>>
      %dma_wait3A_162 = arith.constant 0 : i32
      %dma_wait3A_163 = tpu.memref_slice %arg14[%mul3A_142, %dma_wait3A_162] : memref<512x128xf32, #tpu.memory_space<vmem_shared>> -> memref<32x128xf32, #tpu.memory_space<vmem_shared>>
      tpu.wait_dma2 semaphore(%run_scoped3A : memref<!tpu.dma_semaphore, #tpu.memory_space<semaphore_mem>>) src(%dma_wait3A_163 : memref<32x128xf32, #tpu.memory_space<vmem_shared>>) dst(%dma_wait3A_161 : memref<32x128xf32, #tpu.memory_space<vmem>>)
      tpu.yield
    }) : () -> ()
    %mul3A_143 = arith.constant 32 : i32
    %mul3A_144 = arith.muli %arg1, %mul3A_143 : i32
    "tpu.region"() ({
      %run_scoped3A = tpu.sem_alloc : memref<!tpu.dma_semaphore, #tpu.memory_space<semaphore_mem>>
      %dma_start3A_145 = arith.constant 0 : i32
      %dma_start3A_146 = arith.constant 0 : i32
      %dma_start3A_147 = tpu.memref_slice %arg7[%dma_start3A_145, %dma_start3A_146] : memref<128x128xf32, #tpu.memory_space<vmem>> -> memref<32x128xf32, #tpu.memory_space<vmem>>
      %dma_start3A_148 = arith.constant 0 : i32
      %dma_start3A_149 = tpu.memref_slice %arg5[%arg0, %mul3A_144, %dma_start3A_148] : memref<2x512x128xf32, #tpu.memory_space<hbm>> -> memref<1x32x128xf32, #tpu.memory_space<hbm>>
      %dma_start3A_150 = tpu.memref_squeeze %dma_start3A_149 : memref<1x32x128xf32, #tpu.memory_space<hbm>> -> memref<32x128xf32, #tpu.memory_space<hbm>>
      %dma_start3A_151 = arith.constant 0 : i32
      %dma_start3A_152 = tpu.memref_slice %arg5[%arg0, %mul3A_144, %dma_start3A_151] : memref<2x512x128xf32, #tpu.memory_space<hbm>> -> memref<1x32x128xf32, #tpu.memory_space<hbm>>
      %dma_start3A_153 = tpu.memref_squeeze %dma_start3A_152 : memref<1x32x128xf32, #tpu.memory_space<hbm>> -> memref<32x128xf32, #tpu.memory_space<hbm>>
      %dma_start3A_154 = arith.constant 0 : i32
      %dma_start3A_155 = arith.constant 0 : i32
      %dma_start3A_156 = tpu.memref_slice %arg7[%dma_start3A_154, %dma_start3A_155] : memref<128x128xf32, #tpu.memory_space<vmem>> -> memref<32x128xf32, #tpu.memory_space<vmem>>
      tpu.enqueue_dma source(%dma_start3A_156 : memref<32x128xf32, #tpu.memory_space<vmem>>) target(%dma_start3A_153 : memref<32x128xf32, #tpu.memory_space<hbm>>) target_semaphore(%run_scoped3A : memref<!tpu.dma_semaphore, #tpu.memory_space<semaphore_mem>>)
      %dma_wait3A = arith.constant 0 : i32
      %dma_wait3A_157 = arith.constant 0 : i32
      %dma_wait3A_158 = tpu.memref_slice %arg7[%dma_wait3A, %dma_wait3A_157] : memref<128x128xf32, #tpu.memory_space<vmem>> -> memref<32x128xf32, #tpu.memory_space<vmem>>
      %dma_wait3A_159 = arith.constant 0 : i32
      %dma_wait3A_160 = tpu.memref_slice %arg5[%arg0, %mul3A_144, %dma_wait3A_159] : memref<2x512x128xf32, #tpu.memory_space<hbm>> -> memref<1x32x128xf32, #tpu.memory_space<hbm>>
      %dma_wait3A_161 = tpu.memref_squeeze %dma_wait3A_160 : memref<1x32x128xf32, #tpu.memory_space<hbm>> -> memref<32x128xf32, #tpu.memory_space<hbm>>
      %dma_wait3A_162 = arith.constant 0 : i32
      %dma_wait3A_163 = tpu.memref_slice %arg5[%arg0, %mul3A_144, %dma_wait3A_162] : memref<2x512x128xf32, #tpu.memory_space<hbm>> -> memref<1x32x128xf32, #tpu.memory_space<hbm>>
      %dma_wait3A_164 = tpu.memref_squeeze %dma_wait3A_163 : memref<1x32x128xf32, #tpu.memory_space<hbm>> -> memref<32x128xf32, #tpu.memory_space<hbm>>
      %dma_wait3A_165 = arith.constant 0 : i32
      %dma_wait3A_166 = arith.constant 0 : i32
      %dma_wait3A_167 = tpu.memref_slice %arg7[%dma_wait3A_165, %dma_wait3A_166] : memref<128x128xf32, #tpu.memory_space<vmem>> -> memref<32x128xf32, #tpu.memory_space<vmem>>
      tpu.wait_dma2 semaphore(%run_scoped3A : memref<!tpu.dma_semaphore, #tpu.memory_space<semaphore_mem>>) src(%dma_wait3A_167 : memref<32x128xf32, #tpu.memory_space<vmem>>) dst(%dma_wait3A_164 : memref<32x128xf32, #tpu.memory_space<hbm>>)
      tpu.yield
    }) : () -> ()
    "tpu.region"() ({
      %run_scoped3A = tpu.sem_alloc : memref<!tpu.dma_semaphore, #tpu.memory_space<semaphore_mem>>
      %dma_start3A_145 = arith.constant 0 : i32
      %dma_start3A_146 = tpu.memref_slice %arg6[%add3A, %dma_start3A_145] : memref<32x512xf32, #tpu.memory_space<hbm>> -> memref<1x512xf32, #tpu.memory_space<hbm>>
      %dma_start3A_147 = tpu.memref_squeeze %dma_start3A_146 : memref<1x512xf32, #tpu.memory_space<hbm>> -> memref<512xf32, #tpu.memory_space<hbm>>
      %dma_start3A_148 = arith.constant 0 : i32
      %dma_start3A_149 = tpu.memref_slice %arg6[%add3A, %dma_start3A_148] : memref<32x512xf32, #tpu.memory_space<hbm>> -> memref<1x512xf32, #tpu.memory_space<hbm>>
      %dma_start3A_150 = tpu.memref_squeeze %dma_start3A_149 : memref<1x512xf32, #tpu.memory_space<hbm>> -> memref<512xf32, #tpu.memory_space<hbm>>
      tpu.enqueue_dma source(%arg13 : memref<512xf32, #tpu.memory_space<vmem>>) target(%dma_start3A_150 : memref<512xf32, #tpu.memory_space<hbm>>) target_semaphore(%run_scoped3A : memref<!tpu.dma_semaphore, #tpu.memory_space<semaphore_mem>>)
      %dma_wait3A = arith.constant 0 : i32
      %dma_wait3A_151 = tpu.memref_slice %arg6[%add3A, %dma_wait3A] : memref<32x512xf32, #tpu.memory_space<hbm>> -> memref<1x512xf32, #tpu.memory_space<hbm>>
      %dma_wait3A_152 = tpu.memref_squeeze %dma_wait3A_151 : memref<1x512xf32, #tpu.memory_space<hbm>> -> memref<512xf32, #tpu.memory_space<hbm>>
      %dma_wait3A_153 = arith.constant 0 : i32
      %dma_wait3A_154 = tpu.memref_slice %arg6[%add3A, %dma_wait3A_153] : memref<32x512xf32, #tpu.memory_space<hbm>> -> memref<1x512xf32, #tpu.memory_space<hbm>>
      %dma_wait3A_155 = tpu.memref_squeeze %dma_wait3A_154 : memref<1x512xf32, #tpu.memory_space<hbm>> -> memref<512xf32, #tpu.memory_space<hbm>>
      tpu.wait_dma2 semaphore(%run_scoped3A : memref<!tpu.dma_semaphore, #tpu.memory_space<semaphore_mem>>) src(%arg13 : memref<512xf32, #tpu.memory_space<vmem>>) dst(%dma_wait3A_155 : memref<512xf32, #tpu.memory_space<hbm>>)
      tpu.yield
    }) : () -> ()
    return
  }
}

module attributes {stable_mosaic.version = 14 : i64} {
  func.func @_finish_body(%arg0: memref<2x512x128xf32, #tpu.memory_space<vmem>>, %arg1: memref<32x512xf32, #tpu.memory_space<vmem>>, %arg2: memref<128x128xf32, #tpu.memory_space<vmem>>, %arg3: memref<1x128xf32, #tpu.memory_space<vmem>>, %arg4: memref<128x5xf32, #tpu.memory_space<vmem>>, %arg5: memref<1x5xf32, #tpu.memory_space<vmem>>, %arg6: memref<512x5xf32, #tpu.memory_space<vmem>>) attributes {dimension_semantics = [], scalar_prefetch = 0 : i64, scratch_operands = 0 : i64, tpu.core_type = #tpu.core_type<tc>} {
    %get3A = arith.constant 0 : index
    %get3A_0 = arith.constant 0 : index
    %get3A_1 = arith.constant 0 : index
    %get3A_2 = vector.load %arg0[%get3A, %get3A_0, %get3A_1] : memref<2x512x128xf32, #tpu.memory_space<vmem>>, vector<1x512x128xf32>
    %get3A_3 = vector.shape_cast %get3A_2 : vector<1x512x128xf32> to vector<512x128xf32>
    %get3A_4 = arith.constant 1 : index
    %get3A_5 = arith.constant 0 : index
    %get3A_6 = arith.constant 0 : index
    %get3A_7 = vector.load %arg0[%get3A_4, %get3A_5, %get3A_6] : memref<2x512x128xf32, #tpu.memory_space<vmem>>, vector<1x512x128xf32>
    %get3A_8 = vector.shape_cast %get3A_7 : vector<1x512x128xf32> to vector<512x128xf32>
    %add3A = arith.addf %get3A_3, %get3A_8 : vector<512x128xf32>
    %get3A_9 = arith.constant 0 : index
    %get3A_10 = arith.constant 0 : index
    %get3A_11 = vector.load %arg1[%get3A_9, %get3A_10] : memref<32x512xf32, #tpu.memory_space<vmem>>, vector<32x512xf32>
    %broadcast_in_dim3A = arith.constant 1.000000e+00 : f32
    %broadcast_in_dim3A_12 = vector.broadcast %broadcast_in_dim3A : f32 to vector<32x1xf32>
    %dot_general3A = arith.constant dense<0.000000e+00> : vector<512x1xf32>
    %dot_general3A_13 = tpu.matmul %get3A_11, %broadcast_in_dim3A_12, %dot_general3A {dimension_numbers = #tpu.dot_dimension_numbers<[0], [0], [1], [1], [0, 1, 1, 1], [], []>, precision = #tpu.contract_precision<fp32>, transpose_lhs_hint = false} : vector<32x512xf32>, vector<32x1xf32>, vector<512x1xf32> -> vector<512x1xf32>
    %max3A = arith.constant 1.000000e+00 : f32
    %max3A_14 = vector.broadcast %max3A : f32 to vector<512x1xf32>
    %max3A_15 = arith.maximumf %dot_general3A_13, %max3A_14 : vector<512x1xf32>
    %div3A = arith.constant 1.000000e+00 : f32
    %div3A_16 = vector.broadcast %div3A : f32 to vector<512x1xf32>
    %div3A_17 = arith.divf %div3A_16, %max3A_15 : vector<512x1xf32>
    %mul3A = vector.broadcast %div3A_17 : vector<512x1xf32> to vector<512x128xf32>
    %mul3A_18 = arith.mulf %add3A, %mul3A : vector<512x128xf32>
    %get3A_19 = arith.constant 0 : index
    %get3A_20 = arith.constant 0 : index
    %get3A_21 = vector.load %arg2[%get3A_19, %get3A_20] : memref<128x128xf32, #tpu.memory_space<vmem>>, vector<128x128xf32>
    %dot_general3A_22 = arith.constant dense<0.000000e+00> : vector<512x128xf32>
    %dot_general3A_23 = tpu.matmul %mul3A_18, %get3A_21, %dot_general3A_22 {dimension_numbers = #tpu.dot_dimension_numbers<[1], [0], [0], [1], [0, 0, 1, 1], [], []>, precision = #tpu.contract_precision<fp32>, transpose_lhs_hint = false} : vector<512x128xf32>, vector<128x128xf32>, vector<512x128xf32> -> vector<512x128xf32>
    %gt3A = arith.constant 0.000000e+00 : f32
    %gt3A_24 = vector.broadcast %gt3A : f32 to vector<512x1xf32>
    %gt3A_25 = arith.cmpf ogt, %dot_general3A_13, %gt3A_24 : vector<512x1xf32>
    %jit3A = arith.constant 1.000000e+00 : f32
    %jit3A_26 = arith.constant 0.000000e+00 : f32
    %broadcast_in_dim3A_27 = vector.broadcast %jit3A : f32 to vector<512x1xf32>
    %broadcast_in_dim3A_28 = vector.broadcast %jit3A_26 : f32 to vector<512x1xf32>
    %select_n3A = arith.select %gt3A_25, %broadcast_in_dim3A_27, %broadcast_in_dim3A_28 : vector<512x1xi1>, vector<512x1xf32>
    %get3A_29 = arith.constant 0 : index
    %get3A_30 = arith.constant 0 : index
    %get3A_31 = vector.load %arg3[%get3A_29, %get3A_30] : memref<1x128xf32, #tpu.memory_space<vmem>>, vector<1x128xf32>
    %mul3A_32 = vector.broadcast %select_n3A : vector<512x1xf32> to vector<512x128xf32>
    %mul3A_33 = vector.broadcast %get3A_31 : vector<1x128xf32> to vector<512x128xf32>
    %mul3A_34 = arith.mulf %mul3A_32, %mul3A_33 : vector<512x128xf32>
    %add3A_35 = arith.addf %dot_general3A_23, %mul3A_34 : vector<512x128xf32>
    %get3A_36 = arith.constant 0 : index
    %get3A_37 = arith.constant 0 : index
    %get3A_38 = vector.load %arg4[%get3A_36, %get3A_37] : memref<128x5xf32, #tpu.memory_space<vmem>>, vector<128x5xf32>
    %dot_general3A_39 = arith.constant dense<0.000000e+00> : vector<512x5xf32>
    %dot_general3A_40 = tpu.matmul %add3A_35, %get3A_38, %dot_general3A_39 {dimension_numbers = #tpu.dot_dimension_numbers<[1], [0], [0], [1], [0, 0, 1, 1], [], []>, precision = #tpu.contract_precision<fp32>, transpose_lhs_hint = false} : vector<512x128xf32>, vector<128x5xf32>, vector<512x5xf32> -> vector<512x5xf32>
    %get3A_41 = arith.constant 0 : index
    %get3A_42 = arith.constant 0 : index
    %get3A_43 = vector.load %arg5[%get3A_41, %get3A_42] : memref<1x5xf32, #tpu.memory_space<vmem>>, vector<1x5xf32>
    %add3A_44 = vector.broadcast %get3A_43 : vector<1x5xf32> to vector<512x5xf32>
    %add3A_45 = arith.addf %dot_general3A_40, %add3A_44 : vector<512x5xf32>
    %swap3A = arith.constant 0 : index
    %swap3A_46 = arith.constant 0 : index
    %swap3A_47 = vector.load %arg6[%swap3A, %swap3A_46] : memref<512x5xf32, #tpu.memory_space<vmem>>, vector<512x5xf32>
    tpu.vector_store %arg6[%swap3A, %swap3A_46], %add3A_45 {strides = array<i32>} : memref<512x5xf32, #tpu.memory_space<vmem>>, vector<512x5xf32>,
    return
  }
}

</mosaic_0001>

<sc_bundles>
// kernel: kernel.4.cloned.1.call-start
scs
__scs_entry_jumppad:
0x0: {  	(pc) =	sbr.rel $0x88, $3  }
0x1: {  	(tag) =	ssettag $0x0;
	lr =	simm.s32 $0x1  }
0x2: {  	[smem:$0x3F9B] =	sst lr;
	_ =	strace $0xD0000000  }
0x3: {  	_ = 	snop  }
0x4: {  	_ = 	snop  }
0x5: {  	_ = 	snop  }
0x6: {  	_ = 	snop  }
0x7: {  	_ = 	snop  }
__scs_overlays_trampoline_lowered:
0x8: {  	[smem:$0x3FAA] =	sst s0  }
0x9: {  	[smem:$0x3FAB] =	sst s1  }
0xa: {  	[smem:$0x3FAC] =	sst s2  }
0xb: {  	[smem:$0x3FAD] =	sst s3  }
0xc: {  	[smem:$0x3FAE] =	sst s4  }
0xd: {  	[smem:$0x3FAF] =	sst s5  }
0xe: {  	[smem:$0x3FB0] =	sst s6  }
0xf: {  	[smem:$0x3FB1] =	sst s7  }
0x10: {  	[smem:$0x3FB2] =	sst s8  }
0x11: {  	[smem:$0x3FB3] =	sst s9;
	s0 =	simm.s32 @!p0 $0x0  }
0x12: {  	s1 =	sld [smem:$0x3F99];
	s0 =	simm.s32 @p0 $0x1  }
0x13: {  	[smem:$0x3FB4] =	sst s0;
	s0 =	simm.s32 @!p1 $0x0  }
0x14: {  	s2 =	sld [smem:$0x3F98];
	s0 =	simm.s32 @p1 $0x1  }
0x15: {  	[smem:$0x3FB5] =	sst s0;
	s0 =	simm.s32 @!p2 $0x0  }
0x16: {  	s3 =	sld [smem:$0x3FDB];
	s0 =	simm.s32 @p2 $0x1  }
0x17: {  	s4 =	simm.s32 $0x1BF5;
	[smem:$0x3FB7] =	sst s0  }
0x18: {  	s0 =	sld [smem:$0x3F9A];
	_ =	swait.ge [sflag:s4], $0x0  }
0x19: {  	s7 =	sld [smem:$0x3F9B]  }
0x1a: {  	s8 =	sadd.s32 $0xFFFFE003, lr  }
0x1b: {  	s9 =	sadd.s32 $0xFFFFFEF7, lr;
	s5 =	simm.s32 $0xFFFFFFFF;
	p2 =	slt.u32 s8, $0xFFFFF086  }
0x1c: {  	p1 =	slt.u32 s9, $0xF7A;
	s5 =	simm.s32 @!p2 $0x0  }
0x1d: {  	s5 =	simm.s32 @p1 $0x1;
	p0 =	seq.s32 s7, s2  }
0x1e: {  	s7 =	smul.u32 @!p0 $0xF7A, s2;
	p2 =	seq.s32 @!p0 s5, $0x0  }
0x1f: {  	s9 =	smul.u32 $0xF7A, s1;
	s8 =	simm.s32 @!p0 $0x1BF5;
	p2 =	por !p2, p0  }
0x20: {  	[sflag:s8] =	ssyncset.s32 @!p0 $0xFFFFF086;
	s6 =	sadd.s32 @!p0 s3, s7;
	s7 =	simm.s32 @!p0 $0x108  }
0x21: {  	s3 =	sadd.s32 s3, s9;
	s6 =	sadd.s32 @!p0 $0x88, s6;
	s7 =	simm.s32 @p2 $0x1082  }
0x22: {  	[simem:s7], [sflag:s8] =	dma.local @!p0 [hbm:s6], $0xF7A  }
0x23: {  	s9 =	sor.u32 $0xD0000000, s2;
	s6 =	simm.s32 $0x108;
	_ =	swait.ge @!p0 [sflag:s8], $0x0  }
0x24: {  	s3 =	sadd.s32 $0x88, s3;
	s6 =	simm.s32 @!p1 $0x1082;
	[sflag:s4] =	ssyncset.s32 $0xFFFFF086  }
0x25: {  	[simem:s6], [sflag:s4] =	dma.local [hbm:s3], $0xF7A  }
0x26: {  	[smem:$0x3F9B] =	sst s1;
	(tag) =	ssettag s2;
	_ =	strace s9  }
0x27: {  	s1 =	sld [smem:$0x3FAB]  }
0x28: {  	s2 =	sld [smem:$0x3FAC]  }
0x29: {  	s4 =	sld [smem:$0x3FAE]  }
0x2a: {  	p0 =	seq.s32 s5, $0x0;
	s5 =	sld [smem:$0x3FAF]  }
0x2b: {  	s6 =	sld [smem:$0x3FB0]  }
0x2c: {  	s7 =	sld [smem:$0x3FB1]  }
0x2d: {  	s3 =	simm.s32 $0x108;
	s8 =	sld [smem:$0x3FB2]  }
0x2e: {  	s3 =	simm.s32 @!p0 $0x1082;
	s9 =	sld [smem:$0x3FB3]  }
0x2f: {  	lr =	sadd.s32 s0, s3;
	s0 =	sld [smem:$0x3FAA]  }
0x30: {  	s3 =	sld [smem:$0x3FAD]  }
0x31: {  	[smem:$0x3FB6] =	sst s10  }
0x32: {  	s10 =	sld [smem:$0x3FB4];
	_ =	sdelay $0x3  }
0x33: {  	p0 =	seq.s32 s10, $0x1;
	s10 =	sld [smem:$0x3FB6];
	_ =	sdelay $0x3  }
0x34: {  	[smem:$0x3FB6] =	sst s10  }
0x35: {  	s10 =	sld [smem:$0x3FB5];
	_ =	sdelay $0x3  }
0x36: {  	p1 =	seq.s32 s10, $0x1;
	s10 =	sld [smem:$0x3FB6];
	_ =	sdelay $0x3  }
0x37: {  	[smem:$0x3FB6] =	sst s10  }
0x38: {  	s10 =	sld [smem:$0x3FB7]  }
0x39: {  	_ = 	snop;
	(pc) =	sbr.ind lr, $3  }
0x3a: {  	_ = 	snop  }
0x3b: {  	_ = 	snop  }
0x3c: {  	p2 =	seq.s32 s10, $0x1;
	s10 =	sld [smem:$0x3FB6]  }
0x3d: {  	_ =	shalt  }
0x3e: {  	_ =	shalt  }
0x3f: {  	_ =	shalt  }
0x40: {  	_ =	shalt  }
0x41: {  	_ =	shalt  }
0x42: {  	_ =	shalt  }
0x43: {  	_ =	shalt  }
0x44: {  	_ =	shalt  }
0x45: {  	_ =	shalt  }
0x46: {  	_ =	shalt  }
0x47: {  	_ =	shalt  }
0x48: {  	_ =	shalt  }
0x49: {  	_ =	shalt  }
0x4a: {  	_ =	shalt  }
0x4b: {  	_ =	shalt  }
0x4c: {  	_ =	shalt  }
0x4d: {  	_ =	shalt  }
0x4e: {  	_ =	shalt  }
0x4f: {  	_ =	shalt  }
0x50: {  	_ =	shalt  }
0x51: {  	_ =	shalt  }
0x52: {  	_ =	shalt  }
0x53: {  	_ =	shalt  }
0x54: {  	_ =	shalt  }
0x55: {  	_ =	shalt  }
0x56: {  	_ =	shalt  }
0x57: {  	_ =	shalt  }
0x58: {  	_ =	shalt  }
0x59: {  	_ =	shalt  }
0x5a: {  	_ =	shalt  }
0x5b: {  	_ =	shalt  }
0x5c: {  	_ =	shalt  }
0x5d: {  	_ =	shalt  }
0x5e: {  	_ =	shalt  }
0x5f: {  	_ =	shalt  }
0x60: {  	_ =	shalt  }
0x61: {  	_ =	shalt  }
0x62: {  	_ =	shalt  }
0x63: {  	_ =	shalt  }
0x64: {  	_ =	shalt  }
0x65: {  	_ =	shalt  }
0x66: {  	_ =	shalt  }
0x67: {  	_ =	shalt  }
0x68: {  	_ =	shalt  }
0x69: {  	_ =	shalt  }
0x6a: {  	_ =	shalt  }
0x6b: {  	_ =	shalt  }
0x6c: {  	_ =	shalt  }
0x6d: {  	_ =	shalt  }
0x6e: {  	_ =	shalt  }
0x6f: {  	_ =	shalt  }
0x70: {  	_ =	shalt  }
0x71: {  	_ =	shalt  }
0x72: {  	_ =	shalt  }
0x73: {  	_ =	shalt  }
0x74: {  	_ =	shalt  }
0x75: {  	_ =	shalt  }
0x76: {  	_ =	shalt  }
0x77: {  	_ =	shalt  }
0x78: {  	_ =	shalt  }
0x79: {  	_ =	shalt  }
0x7a: {  	_ =	shalt  }
0x7b: {  	_ =	shalt  }
0x7c: {  	_ =	shalt  }
0x7d: {  	_ =	shalt  }
0x7e: {  	_ =	shalt  }
0x7f: {  	_ =	shalt  }
0x80: {  	_ =	shalt  }
0x81: {  	_ =	shalt  }
0x82: {  	_ =	shalt  }
0x83: {  	_ =	shalt  }
0x84: {  	_ =	shalt  }
0x85: {  	_ =	shalt  }
0x86: {  	_ =	shalt  }
0x87: {  	_ =	shalt  }
.Lfunc_end0:
.L_simem_size_0:
called_computation_lowered:
.L_overlay_start_0:
0x88: {  	s2 =	sld [smem:$0x3FD9]  }
0x89: {  	s3 =	sld [smem:$0x3FFE];
	_ =	sdelay $0x1  }
0x8a: {  	s1 =	srdreg.scid  }
0x8b: {  	s0 =	sand.u32 $0x1, s1  }
0x8c: {  	s17 =	sshll.u32 s0, $0xA;
	s2 =	sadd.s32 s3, s2  }
0x8d: {  	s2 =	sadd.s32 s2, s17  }
0x8e: {  	[smem:$0x3FC2] =	sst s2  }
0x8f: {  	_ = 	snop  }
0x90: {  	s2 =	sld [smem:$0x3FC9]  }
0x91: {  	s18 =	sld [smem:$0x3FC8];
	(tm) =	ssettm $0x1  }
0x92: {  	s4 =	sld [smem:$0x3FFB];
	_ =	sdelay $0x3  }
0x93: {  	_ =	strace s4  }
0x94: {  	s4 =	sld [smem:$0x3FFC];
	_ =	sdelay $0x3  }
0x95: {  	_ =	strace s4  }
0x96: {  	s4 =	sld [smem:$0x3FFD];
	_ =	sdelay $0x3  }
0x97: {  	_ =	strace s4  }
0x98: {  	_ =	strace $0x8FFFFFFF  }
0x99: {  	s19 =	sld [smem:$0x3FDB];
	_ =	sdelay $0x1  }
0x9a: {  	s5 =	simm.s32 $_scs_section_size  }
0x9b: {  	s6 =	simm.s32 $_size__tile_overlayer_lowered;
	s7 =	simm.s32 $_tile_overlayer_lowered  }
0x9c: {  	s22 =	simm.s32 $0x1BFF;
	s21 =	sshll.u32 s7, $0x1;
	s4 =	sadd.s32 s5, s19  }
0x9d: {  	s8 =	simm.s32 $0x0;
	s20 =	sshll.u32 s6, $0x1;
	s6 =	sadd.s32 s21, s4  }
0x9e: {  	[timem:s8], [sflag:s22] =	dma.local [hbm:s6], s20  }
0x9f: {  	_ =	swait.ge [sflag:s22], s20  }
0xa0: {  	s5 =	ssub.s32 $0x0, s20;
	[sflag:s22] =	ssyncset.done $0x0  }
0xa1: {  	[sflag:s22] =	ssyncadd.s32 s5;
	_ =	sdelay $0x1  }
0xa2: {  	s23 =	simm.s32 $0x1B8B  }
0xa3: {  	_ =	swait.ge [sflag:s23], $0x1  }
0xa4: {  	[sflag:s23] =	ssyncset.done $0x0  }
0xa5: {  	s25 =	simm.s32 $0x1B8E;
	s24 =	sld [smem:$0x3FFE];
	[sflag:s23] =	ssyncadd.s32 $0xFFFFFFFF  }
0xa6: {  	s26 =	simm.s32 $execute0_lowered;
	[smem:$0x3FD2] =	sst s25  }
0xa7: {  	s6 =	sshll.u32 s26, $0x1;
	_ =	strace $0x80000046;
	[dreg:$0x1] =	wrdreg $0xFFFFFFFF  }
0xa8: {  	s28 =	simm.s32 $_size_execute0_lowered;
	s4 =	sadd.s32 s4, s6;
	[dreg:$0x0] =	wrdreg $0x0  }
0xa9: {  	s6 =	sshll.u32 s28, $0x1;
	[dreg:$0x2] =	wrdreg s4  }
0xaa: {  	[dreg:$0x3] =	wrdreg s6  }
0xab: {  	[dreg:$0x4] =	wrdreg $0xC0  }
0xac: {  	_ =	task [dreg:s8], $0x5FFFF  }
0xad: {  	[dreg:$0x1] =	wrdreg $0xFFFFFFFF  }
0xae: {  	[dreg:$0x0] =	wrdreg $0x60  }
0xaf: {  	[dreg:$0x2] =	wrdreg s2  }
0xb0: {  	[dreg:$0x3] =	wrdreg s18  }
0xb1: {  	[dreg:$0x4] =	wrdreg s24  }
0xb2: {  	[dreg:$0x5] =	wrdreg $0x112800  }
0xb3: {  	[dreg:$0x6] =	wrdreg $0x9  }
0xb4: {  	_ =	task.clear_ibuf [dreg:s8], $0x7FFFF;
	_ =	strace $0x90000046  }
0xb5: {  	s29 =	simm.s32 $0x9;
	_ =	strace $0x80000048  }
0xb6: {  	_ =	swait.ge [sflag:s29], $0x1  }
0xb7: {  	[sflag:s29] =	ssyncadd.s32 $0xFFFFFFFF  }
0xb8: {  	_ =	strace $0x90000048  }
0xb9: {  	_ =	sfence  }
0xba: {  	s30 =	sld [smem:$0x0];
	_ =	sdelay $0x2  }
0xbb: {  	s31 =	sshll.u32 s1, $0xD;
	s1 =	sshrl.u32 s1, $0x2  }
0xbc: {  	s3 =	sand.u32 $0x4000, s31;
	s1 =	sadd.s32 s1, s30  }
0xbd: {  	s0 =	sor.u32 s3, s0;
	s1 =	sshll.u32 s1, $0x11  }
0xbe: {  	s0 =	sor.u32 s1, s0  }
0xbf: {  	s0 =	sadd.s32 $0x8F2B, s0  }
0xc0: {  	[sflag:s0] =	ssyncadd.remote.s32 $0x1  }
0xc1: {  	_ =	sfence.sel $0xFFFF  }
0xc2: {  	[dreg:$0x0] =	wrdreg $0xFFFFFFFF;
	(pc) =	sbr.abs _section_cstart, $3  }
0xc3: {  	[dreg:$0x1] =	wrdreg $0xFFFFFFFF  }
0xc4: {  	_ =	task.clear_ibuf [dreg:s8], $0x2FFFF;
	_ =	strace $0x9FFFFFFF  }
0xc5: {  	(tm) =	ssettm $0x7FFFFFFF  }
tec
execute0_lowered:
.L_overlay_start_1:
0x0: {  	(tag) =	ssettag $0x1  }
0x1: {  	s0 =	srdreg.scid;
	s10 =	rddreg [dreg:$0x1]  }
0x2: {  	s18 =	stileid.u32;
	s5 =	rddreg [dreg:$0x2];
	s11 =	simm.s32 $0x1  }
0x3: {  	s3 =	simm.s32 $0x0;
	s28 =	simm.s32 $0x8000;
	s29 =	simm.s32 $0x2  }
0x4: {  	s30 =	simm.s32 $0xC000;
	s31 =	simm.s32 $0x3;
	s8 =	sand.u32 $0x1, s0  }
0x5: {  	[smem:$0x7FF] =	sst s3;
	s13 =	sshll.u32 s18, $0x9;
	s25 =	smul.u32 $0x18, s18  }
0x6: {  	s14 =	sshll.u32 s18, $0x4;
	s16 =	sshll.u32 s18, $0xC;
	s26 =	smul.u32 $0x3000, s18  }
0x7: {  	s10 =	sadd.s32 $0x30D0, s10;
	s0 =	sshll.u32 s8, $0x4;
	s13 =	sadd.s32 s13, s5  }
0x8: {  	s14 =	sand.u32 $0x70, s14;
	s15 =	ssub.s32 $0x2, s8;
	s22 =	smul.u32 $0x30000, s8  }
0x9: {  	s23 =	sshll.u32 s8, $0xD;
	s8 =	smul.u32 $0x180, s8;
	s0 =	sor.u32 s18, s0  }
0xa: {  	s14 =	sadd.s32 s14, s5;
	s17 =	sshrl.u32 s15, $0x1;
	s13 =	sadd.s32 s23, s13  }
0xb: {  	s1 =	smul.u32 $0x18, s0;
	s7 =	smin.u32 s0, $0xD;
	s15 =	ssub.s32 s15, s17  }
0xc: {  	s17 =	sshll.u32 s0, $0x6;
	s13 =	sadd.s32 $0x4600, s13;
	s2 =	sand.u32 $0x7, s7  }
0xd: {  	s24 =	sand.u32 $0x600, s17;
	s9 =	sadd.s32 s7, s1;
	s1 =	rddreg [dreg:$0x0]  }
0xe: {  	p1 =	sne.s32 s2, $0x0;
	s2 =	rddreg [dreg:$0x3];
	_ =	strace $0x80000047  }
0xf: {  	s14 =	sadd.s32 s24, s14;
	[dreg:$0xa] =	wrdreg s10;
	p0 =	seq.s32 s9, $0x0  }
0x10: {  	[dreg:$0xb] =	wrdreg s13;
	s24 =	sadd.s32 $0x8600, s14;
	p0 =	por !p0, !p1  }
0x11: {  	s4 =	sshrl.u32 s9, $0x3;
	[dreg:$0xc] =	wrdreg s24;
	p0 =	por !p0, !p0  }
0x12: {  	s24 =	simm.s32 $0x4000;
	s11 =	simm.s32 @!p0 $0x0;
	p0 =	sgt.u32 s0, $0xC  }
0x13: {  	s6 =	ssub.s32 s4, s11;
	s4 =	simm.s32 $0x1;
	p1 =	sne.s32 @p0 s0, $0x1F  }
0x14: {  	s0 =	simm.s32 $0x4;
	s12 =	sshll.u32 s6, $0x7;
	s19 =	sshll.u32 s6, $0x3  }
0x15: {  	s6 =	simm.s32 $0x18;
	p1 =	por p1, !p0;
	s12 =	sand.u32 $0x1FFFFF80, s12  }
0x16: {  	s6 =	simm.s32 @!p0 $0x19;
	s12 =	sadd.s32 s12, s5;
	s5 =	sadd.s32 s16, s2  }
0x17: {  	s16 =	ssub.s32 s9, s19;
	s9 =	sshll.u32 s9, $0xB;
	s19 =	sadd.s32 $0x186800, s1  }
0x18: {  	s16 =	sshll.u32 s16, $0x9;
	s12 =	sadd.s32 $0x1400, s12;
	[dreg:$0x9] =	wrdreg s19  }
0x19: {  	s20 =	sadd.s32 s1, s9;
	[dreg:$0x5] =	wrdreg s12;
	s9 =	sshra.s32 s16, $0x2  }
0x1a: {  	[dreg:$0x6] =	wrdreg s20;
	s12 =	sadd.s32 $0x800, s20;
	s20 =	sor.u32 s8, s7  }
0x1b: {  	s8 =	sadd.s32 s25, s8;
	[dreg:$0x7] =	wrdreg s12;
	s21 =	sadd.s32 $0x10C00, s9  }
0x1c: {  	s12 =	sadd.s32 s26, s22;
	s22 =	sshll.u32 s7, $0x9;
	s7 =	sadd.s32 s7, s8  }
0x1d: {  	s26 =	smax.u32 s15, $0x1;
	[dreg:$0x8] =	wrdreg s21;
	s21 =	sadd.s32 s25, s20  }
0x1e: {  	s23 =	sadd.s32 s22, s12;
	s7 =	sshll.u32 s7, $0xB;
	s10 =	sshrl.u32 s21, $0x3  }
0x1f: {  	[dreg:$0xd] =	wrdreg s26;
	s22 =	simm.s32 $0x9;
	s10 =	ssub.s32 s10, s11  }
0x20: {  	s26 =	simm.s32 $0x11080;
	s1 =	sadd.s32 s7, s1;
	s10 =	sshll.u32 s10, $0xC  }
0x21: {  	s7 =	sadd.s32 $0x2800, s1;
	s13 =	sadd.s32 $0x2000, s1;
	s25 =	ssub.s32 s23, s10  }
0x22: {  	s12 =	sadd.s32 $0x1800, s1;
	[dreg:$0xe] =	wrdreg s7;
	s8 =	sshra.s32 s25, $0x2  }
0x23: {  	s7 =	simm.s32 $0x0;
	s23 =	simm.s32 $0x6;
	s17 =	sadd.s32 $0x10000, s8  }
0x24: {  	v0 =	vimm.f32 $0.0e+00;
	v1 =	vimm.f32 $1.000000000e+00;
	s25 =	simm.s32 $0x80;
	s8 =	sadd.s32 $0x1000, s1;
	s1 =	simm.s32 $0x5;
	v2 =	vmov s17  }
.LBB2_1:
0x25: {  	s10 =	simm.s32 $0x0;
	s11 =	simm.s32 $0x200  }
.LBB2_2:
0x26: {  	p2 =	sne.s32 s11, $0x3E00;
	[tilespmem:s10+$0x70] =	vst v0  }
0x27: {  	[tilespmem:s10+$0x0] =	vst v0  }
0x28: {  	[tilespmem:s10+$0x10] =	vst v0  }
.Ltmp0:
0x29: {  	[tilespmem:s10+$0x20] =	vst v0;
	(pc) =	sbr.rel @p2 .LBB2_2-.Ltmp0, $4  }
0x2a: {  	[tilespmem:s10+$0x30] =	vst v0  }
0x2b: {  	[tilespmem:s10+$0x40] =	vst v0  }
0x2c: {  	[tilespmem:s10+$0x50] =	vst v0  }
0x2d: {  	[tilespmem:s10+$0x60] =	vst v0;
	s10 =	sshra.s32 s11, $0x2;
	s11 =	sadd.s32 $0x200, s11  }
0x2e: {  	[tilespmem:s10+$0x70] =	vst v0  }
0x2f: {  	[tilespmem:s10+$0x0] =	vst v0  }
0x30: {  	[tilespmem:s10+$0x10] =	vst v0  }
0x31: {  	[tilespmem:s10+$0x20] =	vst v0  }
0x32: {  	[tilespmem:s10+$0x30] =	vst v0  }
0x33: {  	[tilespmem:s10+$0x40] =	vst v0  }
0x34: {  	[tilespmem:s10+$0x50] =	vst v0  }
0x35: {  	[tilespmem:s10+$0x60] =	vst v0;
	s10 =	simm.s32 $0x0  }
0x36: {  	[spmem:s5] =	stream.linear.scatter [tilespmem:s10], [sflag:$0x9], $0x1000, $0x38;
	[tilespmem:$0x12280] =	vst v63  }
0x37: {  	_ =	swait.ge [sflag:s22], $0x1000  }
0x38: {  	[sflag:s22] =	ssyncset.done $0x0  }
0x39: {  	[sflag:s22] =	ssyncadd.s32 $0xFFFFF000  }
0x3a: {  	[tilespmem:$0x11080] =	vst v0  }
0x3b: {  	[tilespmem:$0x11090] =	vst v0  }
0x3c: {  	[tilespmem:$0x110A0] =	vst v0  }
0x3d: {  	[tilespmem:$0x110B0] =	vst v0  }
0x3e: {  	[tilespmem:$0x110C0] =	vst v0  }
0x3f: {  	[tilespmem:$0x110D0] =	vst v0  }
0x40: {  	[tilespmem:$0x110E0] =	vst v0  }
0x41: {  	[tilespmem:$0x110F0] =	vst v0  }
0x42: {  	[tilespmem:$0x11100] =	vst v0  }
0x43: {  	[tilespmem:$0x11110] =	vst v0  }
0x44: {  	[tilespmem:$0x11120] =	vst v0  }
0x45: {  	[tilespmem:$0x11130] =	vst v0  }
0x46: {  	[tilespmem:$0x11140] =	vst v0  }
0x47: {  	[tilespmem:$0x11150] =	vst v0  }
0x48: {  	[tilespmem:$0x11160] =	vst v0  }
0x49: {  	[tilespmem:$0x11170] =	vst v0  }
0x4a: {  	[tilespmem:$0x11180] =	vst v0  }
0x4b: {  	[tilespmem:$0x11190] =	vst v0  }
0x4c: {  	[tilespmem:$0x111A0] =	vst v0  }
0x4d: {  	[tilespmem:$0x111B0] =	vst v0  }
0x4e: {  	[tilespmem:$0x111C0] =	vst v0  }
0x4f: {  	[tilespmem:$0x111D0] =	vst v0  }
0x50: {  	[tilespmem:$0x111E0] =	vst v0  }
0x51: {  	[tilespmem:$0x111F0] =	vst v0  }
0x52: {  	[tilespmem:$0x11200] =	vst v0  }
0x53: {  	[tilespmem:$0x11210] =	vst v0  }
0x54: {  	[tilespmem:$0x11220] =	vst v0  }
0x55: {  	[tilespmem:$0x11230] =	vst v0  }
0x56: {  	[tilespmem:$0x11240] =	vst v0  }
0x57: {  	[tilespmem:$0x11250] =	vst v0  }
0x58: {  	[tilespmem:$0x11260] =	vst v0  }
0x59: {  	[tilespmem:$0x11270] =	vst v0  }
0x5a: {  	[bflag:$0x0] =	sbarrier.arrive $0xFFFF  }
0x5b: {  	s14 =	simm.s32 $0x10000;
	s11 =	rddreg [dreg:$0x5]  }
0x5c: {  	[tilespmem:s14], [sflag:$0x9] =	stream.linear.gather [hbm4b:s11+s10], $0x1000, $0x38;
	[tilespmem:$0x12280] =	vst v63  }
0x5d: {  	_ =	swait.ge [sflag:s22], $0x1000  }
0x5e: {  	[sflag:s22] =	ssyncset.done $0x0  }
0x5f: {  	s20 =	rddreg [dreg:$0x6];
	[sflag:s22] =	ssyncadd.s32 $0xFFFFF000  }
0x60: {  	[tilespmem:s10], [sflag:$0x1] =	stream.linear.gather [hbm4b:s20+s10], $0x4000, $0x38;
	[tilespmem:$0x12280] =	vst v63  }
0x61: {  	s19 =	smov.u32 s13;
	s11 =	simm.s32 $0x5;
	s21 =	rddreg [dreg:$0x7]  }
0x62: {  	[tilespmem:s24], [sflag:$0x2] =	stream.linear.gather [hbm4b:s21+s10], $0x4000, $0x38;
	[tilespmem:$0x12280] =	vst v63  }
0x63: {  	s18 =	rddreg [dreg:$0xe];
	s20 =	smov.u32 s12;
	s21 =	smov.u32 s8  }
.LBB2_4:
0x64: {  	_ =	swait.ge [sflag:s4], $0x4000  }
0x65: {  	s15 =	sshra.s32 s10, $0x2;
	[sflag:s4] =	ssyncset.done $0x0  }
0x66: {  	s16 =	sadd.s32 s15, s17;
	[sflag:s4] =	ssyncadd.s32 $0xFFFFC000  }
0x67: {  	[spmem:s2] =	stream.indirect.scatter.add.f32 [tilespmem:s3], [sflag:$0x5], $0x80, s16, s25, $0xb8;
	[tilespmem:$0x12280] =	vst v63  }
0x68: {  	v3 =	vld.idx.msk [tilespmem:v2+s15+$0x0 ss:$0x1], $0xffff;
	_ =	sdelay $0x7  }
0x69: {  	[tilespmem:v3+s26+$0x0] =	vst.idx.add.f32.msk $0xffff, v1  }
0x6a: {  	v3 =	vld.idx.msk [tilespmem:v2+s15+$0x10 ss:$0x1], $0xffff;
	_ =	sdelay $0x7  }
0x6b: {  	[tilespmem:v3+s26+$0x0] =	vst.idx.add.f32.msk $0xffff, v1  }
0x6c: {  	v3 =	vld.idx.msk [tilespmem:v2+s15+$0x20 ss:$0x1], $0xffff;
	_ =	sdelay $0x7  }
0x6d: {  	[tilespmem:v3+s26+$0x0] =	vst.idx.add.f32.msk $0xffff, v1  }
0x6e: {  	v3 =	vld.idx.msk [tilespmem:v2+s15+$0x30 ss:$0x1], $0xffff;
	_ =	sdelay $0x7  }
0x6f: {  	[tilespmem:v3+s26+$0x0] =	vst.idx.add.f32.msk $0xffff, v1  }
0x70: {  	v3 =	vld.idx.msk [tilespmem:v2+s15+$0x40 ss:$0x1], $0xffff;
	_ =	sdelay $0x7  }
0x71: {  	[tilespmem:v3+s26+$0x0] =	vst.idx.add.f32.msk $0xffff, v1  }
0x72: {  	v3 =	vld.idx.msk [tilespmem:v2+s15+$0x50 ss:$0x1], $0xffff;
	_ =	sdelay $0x7  }
0x73: {  	[tilespmem:v3+s26+$0x0] =	vst.idx.add.f32.msk $0xffff, v1  }
0x74: {  	v3 =	vld.idx.msk [tilespmem:v2+s15+$0x60 ss:$0x1], $0xffff;
	_ =	sdelay $0x7  }
0x75: {  	[tilespmem:v3+s26+$0x0] =	vst.idx.add.f32.msk $0xffff, v1  }
0x76: {  	v3 =	vld.idx.msk [tilespmem:v2+s15+$0x70 ss:$0x1], $0xffff;
	_ =	sdelay $0x6  }
0x77: {  	p2 =	seq.s32 s10, $0x0  }
0x78: {  	s14 =	simm.s32 @!p2 $0x7;
	[tilespmem:v3+s26+$0x0] =	vst.idx.add.f32.msk $0xffff, v1  }
0x79: {  	_ =	swait.ge @!p2 [sflag:s14], $0x4000  }
0x7a: {  	[sflag:s14] =	ssyncset.done @!p2 $0x0  }
0x7b: {  	[sflag:s14] =	ssyncadd.s32 @!p2 $0xFFFFC000  }
0x7c: {  	[tilespmem:s28], [sflag:$0x3] =	stream.linear.gather [hbm4b:s21+s3], $0x4000, $0x38;
	[tilespmem:$0x12280] =	vst v63  }
0x7d: {  	_ =	swait.ge [sflag:s29], $0x4000  }
0x7e: {  	[sflag:s29] =	ssyncset.done $0x0  }
0x7f: {  	s14 =	sadd.s32 $0x80, s16;
	[sflag:s29] =	ssyncadd.s32 $0xFFFFC000  }
0x80: {  	[spmem:s2] =	stream.indirect.scatter.add.f32 [tilespmem:s24], [sflag:$0x6], $0x80, s14, s25, $0xb8;
	[tilespmem:$0x12280] =	vst v63  }
0x81: {  	v3 =	vld.idx.msk [tilespmem:v2+s15+$0x80 ss:$0x1], $0xffff;
	_ =	sdelay $0x7  }
0x82: {  	[tilespmem:v3+s26+$0x0] =	vst.idx.add.f32.msk $0xffff, v1  }
0x83: {  	v3 =	vld.idx.msk [tilespmem:v2+s15+$0x90 ss:$0x1], $0xffff;
	_ =	sdelay $0x7  }
0x84: {  	[tilespmem:v3+s26+$0x0] =	vst.idx.add.f32.msk $0xffff, v1  }
0x85: {  	v3 =	vld.idx.msk [tilespmem:v2+s15+$0xA0 ss:$0x1], $0xffff;
	_ =	sdelay $0x7  }
0x86: {  	[tilespmem:v3+s26+$0x0] =	vst.idx.add.f32.msk $0xffff, v1  }
0x87: {  	v3 =	vld.idx.msk [tilespmem:v2+s15+$0xB0 ss:$0x1], $0xffff;
	_ =	sdelay $0x7  }
0x88: {  	[tilespmem:v3+s26+$0x0] =	vst.idx.add.f32.msk $0xffff, v1  }
0x89: {  	v3 =	vld.idx.msk [tilespmem:v2+s15+$0xC0 ss:$0x1], $0xffff;
	_ =	sdelay $0x7  }
0x8a: {  	[tilespmem:v3+s26+$0x0] =	vst.idx.add.f32.msk $0xffff, v1  }
0x8b: {  	v3 =	vld.idx.msk [tilespmem:v2+s15+$0xD0 ss:$0x1], $0xffff;
	_ =	sdelay $0x7  }
0x8c: {  	[tilespmem:v3+s26+$0x0] =	vst.idx.add.f32.msk $0xffff, v1  }
0x8d: {  	v3 =	vld.idx.msk [tilespmem:v2+s15+$0xE0 ss:$0x1], $0xffff;
	_ =	sdelay $0x7  }
0x8e: {  	[tilespmem:v3+s26+$0x0] =	vst.idx.add.f32.msk $0xffff, v1  }
0x8f: {  	v3 =	vld.idx.msk [tilespmem:v2+s15+$0xF0 ss:$0x1], $0xffff;
	_ =	sdelay $0x7  }
0x90: {  	s14 =	simm.s32 @!p2 $0x8;
	[tilespmem:v3+s26+$0x0] =	vst.idx.add.f32.msk $0xffff, v1  }
0x91: {  	_ =	swait.ge @!p2 [sflag:s14], $0x4000  }
0x92: {  	[sflag:s14] =	ssyncset.done @!p2 $0x0  }
0x93: {  	[sflag:s14] =	ssyncadd.s32 @!p2 $0xFFFFC000  }
0x94: {  	[tilespmem:s30], [sflag:$0x4] =	stream.linear.gather [hbm4b:s20+s3], $0x4000, $0x38;
	[tilespmem:$0x12280] =	vst v63  }
0x95: {  	_ =	swait.ge [sflag:s31], $0x4000  }
0x96: {  	[sflag:s31] =	ssyncset.done $0x0  }
0x97: {  	s14 =	sadd.s32 $0x100, s16;
	[sflag:s31] =	ssyncadd.s32 $0xFFFFC000  }
0x98: {  	[spmem:s2] =	stream.indirect.scatter.add.f32 [tilespmem:s28], [sflag:$0x7], $0x80, s14, s25, $0xb8;
	[tilespmem:$0x12280] =	vst v63  }
0x99: {  	v3 =	vld.idx.msk [tilespmem:v2+s15+$0x100 ss:$0x1], $0xffff;
	_ =	sdelay $0x7  }
0x9a: {  	[tilespmem:v3+s26+$0x0] =	vst.idx.add.f32.msk $0xffff, v1  }
0x9b: {  	v3 =	vld.idx.msk [tilespmem:v2+s15+$0x110 ss:$0x1], $0xffff;
	_ =	sdelay $0x7  }
0x9c: {  	[tilespmem:v3+s26+$0x0] =	vst.idx.add.f32.msk $0xffff, v1  }
0x9d: {  	v3 =	vld.idx.msk [tilespmem:v2+s15+$0x120 ss:$0x1], $0xffff;
	_ =	sdelay $0x7  }
0x9e: {  	[tilespmem:v3+s26+$0x0] =	vst.idx.add.f32.msk $0xffff, v1  }
0x9f: {  	v3 =	vld.idx.msk [tilespmem:v2+s15+$0x130 ss:$0x1], $0xffff;
	_ =	sdelay $0x7  }
0xa0: {  	[tilespmem:v3+s26+$0x0] =	vst.idx.add.f32.msk $0xffff, v1  }
0xa1: {  	v3 =	vld.idx.msk [tilespmem:v2+s15+$0x140 ss:$0x1], $0xffff;
	_ =	sdelay $0x7  }
0xa2: {  	[tilespmem:v3+s26+$0x0] =	vst.idx.add.f32.msk $0xffff, v1  }
0xa3: {  	v3 =	vld.idx.msk [tilespmem:v2+s15+$0x150 ss:$0x1], $0xffff;
	_ =	sdelay $0x7  }
0xa4: {  	[tilespmem:v3+s26+$0x0] =	vst.idx.add.f32.msk $0xffff, v1  }
0xa5: {  	v3 =	vld.idx.msk [tilespmem:v2+s15+$0x160 ss:$0x1], $0xffff;
	_ =	sdelay $0x7  }
0xa6: {  	[tilespmem:v3+s26+$0x0] =	vst.idx.add.f32.msk $0xffff, v1  }
0xa7: {  	v3 =	vld.idx.msk [tilespmem:v2+s15+$0x170 ss:$0x1], $0xffff;
	_ =	sdelay $0x7  }
0xa8: {  	[tilespmem:v3+s26+$0x0] =	vst.idx.add.f32.msk $0xffff, v1  }
0xa9: {  	s14 =	sadd.s32 $0xFFFFFFFF, s11;
	_ =	swait.ge [sflag:s1], $0x4000  }
0xaa: {  	p2 =	sge.u32 s14, s6;
	[sflag:s1] =	ssyncset.done $0x0  }
0xab: {  	s14 =	simm.s32 @!p2 $0x0;
	[sflag:s1] =	ssyncadd.s32 $0xFFFFC000  }
0xac: {  	[tilespmem:s14], [sflag:$0x1] =	stream.linear.gather @!p2 [hbm4b:s19+s14], $0x4000, $0x38;
	[tilespmem:$0x12280] =	vst v63  }
0xad: {  	_ =	swait.ge [sflag:s0], $0x4000  }
0xae: {  	[sflag:s0] =	ssyncset.done $0x0  }
0xaf: {  	s16 =	sadd.s32 $0x180, s16;
	[sflag:s0] =	ssyncadd.s32 $0xFFFFC000  }
0xb0: {  	[spmem:s2] =	stream.indirect.scatter.add.f32 [tilespmem:s30], [sflag:$0x8], $0x80, s16, s25, $0xb8;
	[tilespmem:$0x12280] =	vst v63  }
0xb1: {  	v3 =	vld.idx.msk [tilespmem:v2+s15+$0x180 ss:$0x1], $0xffff;
	_ =	sdelay $0x7  }
0xb2: {  	[tilespmem:v3+s26+$0x0] =	vst.idx.add.f32.msk $0xffff, v1  }
0xb3: {  	v3 =	vld.idx.msk [tilespmem:v2+s15+$0x190 ss:$0x1], $0xffff;
	_ =	sdelay $0x7  }
0xb4: {  	[tilespmem:v3+s26+$0x0] =	vst.idx.add.f32.msk $0xffff, v1  }
0xb5: {  	v3 =	vld.idx.msk [tilespmem:v2+s15+$0x1A0 ss:$0x1], $0xffff;
	_ =	sdelay $0x7  }
0xb6: {  	[tilespmem:v3+s26+$0x0] =	vst.idx.add.f32.msk $0xffff, v1  }
0xb7: {  	v3 =	vld.idx.msk [tilespmem:v2+s15+$0x1B0 ss:$0x1], $0xffff;
	_ =	sdelay $0x7  }
0xb8: {  	[tilespmem:v3+s26+$0x0] =	vst.idx.add.f32.msk $0xffff, v1  }
0xb9: {  	v3 =	vld.idx.msk [tilespmem:v2+s15+$0x1C0 ss:$0x1], $0xffff;
	_ =	sdelay $0x7  }
0xba: {  	[tilespmem:v3+s26+$0x0] =	vst.idx.add.f32.msk $0xffff, v1  }
0xbb: {  	v3 =	vld.idx.msk [tilespmem:v2+s15+$0x1D0 ss:$0x1], $0xffff;
	_ =	sdelay $0x7  }
0xbc: {  	[tilespmem:v3+s26+$0x0] =	vst.idx.add.f32.msk $0xffff, v1  }
0xbd: {  	v3 =	vld.idx.msk [tilespmem:v2+s15+$0x1E0 ss:$0x1], $0xffff;
	_ =	sdelay $0x7  }
0xbe: {  	[tilespmem:v3+s26+$0x0] =	vst.idx.add.f32.msk $0xffff, v1  }
0xbf: {  	v3 =	vld.idx.msk [tilespmem:v2+s15+$0x1F0 ss:$0x1], $0xffff;
	_ =	sdelay $0x7  }
0xc0: {  	[tilespmem:v3+s26+$0x0] =	vst.idx.add.f32.msk $0xffff, v1  }
0xc1: {  	_ =	swait.ge [sflag:s23], $0x4000  }
0xc2: {  	s10 =	sadd.s32 $0x800, s10;
	p2 =	sge.u32 s11, s6;
	[sflag:s23] =	ssyncset.done $0x0  }
0xc3: {  	s14 =	simm.s32 @!p2 $0x0;
	s15 =	simm.s32 @!p2 $0x4000;
	[sflag:s23] =	ssyncadd.s32 $0xFFFFC000  }
0xc4: {  	[tilespmem:s15], [sflag:$0x2] =	stream.linear.gather @!p2 [hbm4b:s18+s14], $0x4000, $0x38;
	[tilespmem:$0x12280] =	vst v63  }
0xc5: {  	p2 =	sne.s32 s10, $0x3000  }
.Ltmp1:
0xc6: {  	_ = 	snop;
	(pc) =	sbr.rel @p2 .LBB2_4-.Ltmp1, $3  }
0xc7: {  	_ =	sdelay $0x1  }
0xc8: {  	s21 =	sadd.s32 $0x2000, s21;
	s20 =	sadd.s32 $0x2000, s20  }
0xc9: {  	s11 =	sadd.s32 $0x4, s11;
	s19 =	sadd.s32 $0x2000, s19;
	s18 =	sadd.s32 $0x2000, s18  }
0xca: {  	s10 =	simm.s32 @p0 $0x7  }
0xcb: {  	_ =	swait.ge @p0 [sflag:s10], $0x4000  }
0xcc: {  	[sflag:s10] =	ssyncset.done @p0 $0x0  }
0xcd: {  	[sflag:s10] =	ssyncadd.s32 @p0 $0xFFFFC000;
	s10 =	simm.s32 @p0 $0x8  }
0xce: {  	_ =	swait.ge @p0 [sflag:s10], $0x4000  }
0xcf: {  	[sflag:s10] =	ssyncset.done @p0 $0x0  }
0xd0: {  	s11 =	rddreg [dreg:$0x9];
	[sflag:s10] =	ssyncadd.s32 @p0 $0xFFFFC000;
	s10 =	simm.s32 @!p1 $0x0  }
0xd1: {  	[tilespmem:s10], [sflag:$0x9] =	stream.linear.gather @!p1 [hbm4b:s11+s10], $0x1000, $0x38;
	[tilespmem:$0x12280] =	vst v63  }
0xd2: {  	s11 =	simm.s32 @!p1 $0x9  }
0xd3: {  	_ =	swait.ge @!p1 [sflag:s11], $0x1000  }
0xd4: {  	[sflag:s11] =	ssyncset.done @!p1 $0x0  }
0xd5: {  	s14 =	simm.s32 @!p1 $0x11000;
	s15 =	rddreg [dreg:$0xa];
	[sflag:s11] =	ssyncadd.s32 @!p1 $0xFFFFF000  }
0xd6: {  	[tilespmem:s14], [sflag:$0x9] =	stream.linear.gather @!p1 [hbm4b:s15+s10], $0x20, $0x38;
	[tilespmem:$0x12280] =	vst v63  }
0xd7: {  	_ =	swait.ge @!p1 [sflag:s11], $0x20  }
0xd8: {  	[sflag:s11] =	ssyncset.done @!p1 $0x0  }
0xd9: {  	s15 =	simm.s32 @!p1 $0x20;
	[sflag:s11] =	ssyncadd.s32 @!p1 $0xFFFFFFE0  }
0xda: {  	[spmem:s2] =	stream.indirect.scatter.add.f32 @!p1 [tilespmem:s10], [sflag:$0x9], $0x80, s14, s15, $0xb8;
	[tilespmem:$0x12280] =	vst v63  }
0xdb: {  	_ =	swait.ge @!p1 [sflag:s11], $0x1000  }
0xdc: {  	[sflag:s11] =	ssyncset.done @!p1 $0x0  }
0xdd: {  	[sflag:s11] =	ssyncadd.s32 @!p1 $0xFFFFF000  }
0xde: {  	v3 =	vld @!p1 [tilespmem:$0x11000];
	_ =	sdelay $0x6  }
0xdf: {  	v4 =	vimm.f32 @!p1 $1.000000000e+00;
	s10 =	simm.s32 @!p1 $0x11080  }
0xe0: {  	[tilespmem:v3+s10+$0x0] =	vst.idx.add.f32.msk @!p1 $0xffff, v4  }
0xe1: {  	v3 =	vld @!p1 [tilespmem:$0x11010];
	_ =	sdelay $0x7  }
0xe2: {  	[tilespmem:v3+s10+$0x0] =	vst.idx.add.f32.msk @!p1 $0xffff, v4;
	s10 =	simm.s32 @!p0 $0x1  }
0xe3: {  	_ =	swait.ge @!p0 [sflag:s10], $0x4000  }
0xe4: {  	s11 =	simm.s32 @!p0 $0x0;
	[sflag:s10] =	ssyncset.done @!p0 $0x0  }
0xe5: {  	s14 =	rddreg [dreg:$0x8];
	[sflag:s10] =	ssyncadd.s32 @!p0 $0xFFFFC000;
	s10 =	simm.s32 @!p0 $0x80  }
0xe6: {  	[spmem:s2] =	stream.indirect.scatter.add.f32 @!p0 [tilespmem:s11], [sflag:$0x5], $0x80, s14, s10, $0xb8;
	[tilespmem:$0x12280] =	vst v63  }
0xe7: {  	v3 =	vld @!p0 [tilespmem:s9+$0x10C00];
	_ =	sdelay $0x6  }
0xe8: {  	v4 =	vimm.f32 @!p0 $1.000000000e+00;
	s10 =	simm.s32 @!p0 $0x11080  }
0xe9: {  	[tilespmem:v3+s10+$0x0] =	vst.idx.add.f32.msk @!p0 $0xffff, v4  }
0xea: {  	v3 =	vld @!p0 [tilespmem:s9+$0x10C10];
	_ =	sdelay $0x7  }
0xeb: {  	[tilespmem:v3+s10+$0x0] =	vst.idx.add.f32.msk @!p0 $0xffff, v4  }
0xec: {  	v3 =	vld @!p0 [tilespmem:s9+$0x10C20];
	_ =	sdelay $0x7  }
0xed: {  	[tilespmem:v3+s10+$0x0] =	vst.idx.add.f32.msk @!p0 $0xffff, v4  }
0xee: {  	v3 =	vld @!p0 [tilespmem:s9+$0x10C30];
	_ =	sdelay $0x7  }
0xef: {  	[tilespmem:v3+s10+$0x0] =	vst.idx.add.f32.msk @!p0 $0xffff, v4  }
0xf0: {  	v3 =	vld @!p0 [tilespmem:s9+$0x10C40];
	_ =	sdelay $0x7  }
0xf1: {  	[tilespmem:v3+s10+$0x0] =	vst.idx.add.f32.msk @!p0 $0xffff, v4  }
0xf2: {  	v3 =	vld @!p0 [tilespmem:s9+$0x10C50];
	_ =	sdelay $0x7  }
0xf3: {  	[tilespmem:v3+s10+$0x0] =	vst.idx.add.f32.msk @!p0 $0xffff, v4  }
0xf4: {  	v3 =	vld @!p0 [tilespmem:s9+$0x10C60];
	_ =	sdelay $0x7  }
0xf5: {  	[tilespmem:v3+s10+$0x0] =	vst.idx.add.f32.msk @!p0 $0xffff, v4  }
0xf6: {  	v3 =	vld @!p0 [tilespmem:s9+$0x10C70];
	_ =	sdelay $0x7  }
0xf7: {  	[tilespmem:v3+s10+$0x0] =	vst.idx.add.f32.msk @!p0 $0xffff, v4;
	s10 =	simm.s32 @!p0 $0x7  }
0xf8: {  	_ =	swait.ge @!p0 [sflag:s10], $0x4000  }
0xf9: {  	[sflag:s10] =	ssyncset.done @!p0 $0x0  }
0xfa: {  	[sflag:s10] =	ssyncadd.s32 @!p0 $0xFFFFC000;
	s10 =	simm.s32 @!p0 $0x8  }
0xfb: {  	_ =	swait.ge @!p0 [sflag:s10], $0x4000  }
0xfc: {  	[sflag:s10] =	ssyncset.done @!p0 $0x0  }
0xfd: {  	[sflag:s10] =	ssyncadd.s32 @!p0 $0xFFFFC000;
	s10 =	simm.s32 @!p0 $0x5  }
0xfe: {  	_ =	swait.ge @!p0 [sflag:s10], $0x4000  }
0xff: {  	[sflag:s10] =	ssyncset.done @!p0 $0x0  }
0x100: {  	[sflag:s10] =	ssyncadd.s32 @!p0 $0xFFFFC000  }
0x101: {  	[bflag:$0x0] =	sbarrier.arrive $0xFFFF  }
0x102: {  	[tilespmem:s3], [sflag:$0x9] =	stream.linear.gather [spmem:s5], $0x1000, $0x38;
	[tilespmem:$0x12280] =	vst v63  }
0x103: {  	_ =	swait.ge [sflag:s22], $0x1000  }
0x104: {  	[sflag:s22] =	ssyncset.done $0x0  }
0x105: {  	s18 =	rddreg [dreg:$0xb];
	[sflag:s22] =	ssyncadd.s32 $0xFFFFF000  }
0x106: {  	[hbm4b:s18+s3] =	stream.linear.scatter [tilespmem:s3], [sflag:$0x9], $0x1000, $0x38;
	[tilespmem:$0x12280] =	vst v63  }
0x107: {  	_ =	swait.ge [sflag:s22], $0x1000  }
0x108: {  	[sflag:s22] =	ssyncset.done $0x0  }
0x109: {  	s20 =	simm.s32 $0x400;
	s19 =	rddreg [dreg:$0xc];
	[sflag:s22] =	ssyncadd.s32 $0xFFFFF000  }
0x10a: {  	[hbm4b:s19+s25] =	stream.strided.scatter [tilespmem:s26], [sflag:$0x9], $0x200, s20, s25, $0x38;
	[tilespmem:$0x12280] =	vst v63  }
0x10b: {  	_ =	swait.ge [sflag:s22], $0x200  }
0x10c: {  	s7 =	sadd.s32 $0x1, s7;
	s21 =	rddreg [dreg:$0xd]  }
0x10d: {  	p2 =	sne.s32 s7, s21  }
.Ltmp2:
0x10e: {  	_ = 	snop;
	(pc) =	sbr.rel @p2 .LBB2_1-.Ltmp2, $3  }
0x10f: {  	_ =	sdelay $0x1  }
0x110: {  	[sflag:s22] =	ssyncset.done $0x0  }
0x111: {  	[sflag:s22] =	ssyncadd.s32 $0xFFFFFE00  }
0x112: {  	_ =	sfence.sel $0x180000  }
0x113: {  	[bflag:$0x0] =	sbarrier.arrive $0xFFFF  }
0x114: {  	_ =	strace $0x90000047  }
0x115: {  	s0 =	stileid.u32;
	[bflag:$0x2] =	sbarrier.arrive $0xFFFF  }
0x116: {  	p0 =	sne.s32 s0, $0x0;
	s0 =	rddreg [dreg:$0x4]  }
0x117: {  	s0 =	sadd.s32 @!p0 $0x100000, s0  }
0x118: {  	[sflag:s0] =	ssyncadd.tile.s32 @!p0 $0x1;
	_ =	shalt  }
.Lfunc_end2:
_tile_overlayer_lowered:
.L_overlay_start_2:
0x119: {  	(tag) =	ssettag $0x2  }
0x11a: {  	s0 =	rddreg [dreg:$0x0];
	s2 =	stileid.u32  }
0x11b: {  	s1 =	rddreg [dreg:$0x1];
	p0 =	sne.s32 s2, $0x0  }
0x11c: {  	s3 =	rddreg [dreg:$0x2];
	[bflag:$0x3] =	sbarrier.arrive $0xFFFF;
	s2 =	simm.s32 @!p0 $0x1C09  }
0x11d: {  	[timem:s3], [sflag:s2] =	dma.local @!p0 [hbm:s0], s1  }
0x11e: {  	s0 =	simm.s32 @!p0 $0x9  }
0x11f: {  	_ =	swait.ge @!p0 [sflag:s0], s1  }
0x120: {  	s1 =	ssub.s32 @!p0 $0x0, s1;
	[sflag:s0] =	ssyncset.done @!p0 $0x0  }
0x121: {  	[sflag:s0] =	ssyncadd.s32 @!p0 s1  }
0x122: {  	[bflag:$0x3] =	sbarrier.arrive $0xFFFF  }
0x123: {  	_ =	shalt  }

</sc_bundles>
